<compile_context>
chip_gen: v7x
topology: tpu7x:2x2x1
jax: 0.10.2.dev20260603
libtpu: 0.0.44.dev20260713+nightly
codegen_flags: <defaults>
</compile_context>

<pallas_src>
import functools

import jax
import jax.numpy as jnp
from jax import lax
from jax.experimental import pallas as pl
from jax.experimental.pallas import tpu as pltpu
from jax.experimental.pallas import tpu_sc as plsc

N = 100000
E = 6400000
F = 4
H = 32

NC = 2
NS = 16
NW = NC * NS
EW = E // NW
SUB = 128
K = 32
CH = SUB * K
PAD = 704
EWP = EW + PAD
NCHUNK = EWP // CH
E2 = NW * EWP
RB = N // 50


def _sc_body(src_hbm, dst_hbm, w_hbm, ce_hbm, x_hbm, zb_hbm,
             acc_out, cnt_out,
             a0_sp, a1_sp, a2_sp, a3_sp, cnt_sp,
             src_v, dst_v, w_v, cnt_v, rows_v, p0_v, p1_v, p2_v, p3_v,
             sem, sem2, sem3):
    pays = (p0_v, p1_v, p2_v, p3_v)
    accs = (a0_sp, a1_sp, a2_sp, a3_sp)
    cid = lax.axis_index("c")
    sid = lax.axis_index("s")
    wid = cid * NS + sid

    for k in range(4):
        b = sid + NS * k
        def _zero(b=b):
            for a in accs:
                pltpu.sync_copy(zb_hbm, a.at[pl.ds(b * RB, RB)])
            pltpu.sync_copy(zb_hbm, cnt_sp.at[pl.ds(b * RB, RB)])
        if k < 3:
            _zero()
        else:
            pl.when(sid < 2)(_zero)
    plsc.subcore_barrier()

    iota = lax.iota(jnp.int32, 16)

    def chunk_body(c, carry):
        eb = wid * EWP + c * CH
        lh = [pltpu.async_copy(src_hbm.at[pl.ds(eb, CH)], src_v, sem3),
              pltpu.async_copy(dst_hbm.at[pl.ds(eb, CH)], dst_v, sem3),
              pltpu.async_copy(w_hbm.at[pl.ds(eb, CH)], w_v, sem3),
              pltpu.async_copy(ce_hbm.at[pl.ds(eb, CH)], cnt_v, sem3)]
        for h in lh:
            h.wait()
        pltpu.async_copy(x_hbm.at[src_v], rows_v, sem).wait()

        def mul_body(i, carry2):
            base = i * 16
            evec = iota + base
            wv = w_v[pl.ds(base, 16)]
            for col in range(F):
                cc = jnp.full((16,), col, jnp.int32)
                xc = plsc.load_gather(rows_v, [evec, cc])
                pays[col][pl.ds(base, 16)] = xc * wv
            return carry2
        lax.fori_loop(0, CH // 16, mul_body, 0)

        for col in range(F):
            pltpu.sync_copy(pays[col], accs[col].at[dst_v], add=True)
        pltpu.sync_copy(cnt_v, cnt_sp.at[dst_v], add=True)
        return carry
    lax.fori_loop(0, NCHUNK, chunk_body, 0)
    plsc.subcore_barrier()

    for k in range(4):
        b = sid + NS * k
        def _drain(b=b):
            for col in range(F):
                pltpu.sync_copy(accs[col].at[pl.ds(b * RB, RB)],
                                acc_out.at[cid, col, pl.ds(b * RB, RB)])
            pltpu.sync_copy(cnt_sp.at[pl.ds(b * RB, RB)],
                            cnt_out.at[cid, pl.ds(b * RB, RB)])
        if k < 3:
            _drain()
        else:
            pl.when(sid < 2)(_drain)


def _sc_aggregate(src2d, dst2d, w, ce, x):
    zb = jnp.zeros((RB,), jnp.float32)
    mesh = plsc.VectorSubcoreMesh(core_axis_name="c", subcore_axis_name="s",
                                  num_cores=NC, num_subcores=NS)
    fn = pl.kernel(
        _sc_body,
        out_type=(jax.ShapeDtypeStruct((NC, F, N), jnp.float32),
                  jax.ShapeDtypeStruct((NC, N), jnp.float32)),
        mesh=mesh,
        scratch_types=(
            pltpu.VMEM_SHARED((N,), jnp.float32),
            pltpu.VMEM_SHARED((N,), jnp.float32),
            pltpu.VMEM_SHARED((N,), jnp.float32),
            pltpu.VMEM_SHARED((N,), jnp.float32),
            pltpu.VMEM_SHARED((N,), jnp.float32),
            pltpu.VMEM((CH,), jnp.int32),
            pltpu.VMEM((CH,), jnp.int32),
            pltpu.VMEM((CH,), jnp.float32),
            pltpu.VMEM((CH,), jnp.float32),
            pltpu.VMEM((CH, F), jnp.float32),
            pltpu.VMEM((CH,), jnp.float32),
            pltpu.VMEM((CH,), jnp.float32),
            pltpu.VMEM((CH,), jnp.float32),
            pltpu.VMEM((CH,), jnp.float32),
            pltpu.SemaphoreType.DMA,
            pltpu.SemaphoreType.DMA,
            pltpu.SemaphoreType.DMA,
        ),
        compiler_params=pltpu.CompilerParams(use_tc_tiling_on_sc=False,
                                             needs_layout_passes=False),
    )
    return fn(src2d, dst2d, w, ce, x, zb)


def _tc_body(acc_ref, cnt_ref, x_ref, ggc_ref, gih_ref, ghh_ref, gbi_ref,
             gbh_ref, lih_ref, lb_ref, linw_ref, linb_ref, out_ref):
    f32 = jnp.float32
    a = acc_ref[0] + acc_ref[1]
    cnt = cnt_ref[0] + cnt_ref[1]
    aggp = a / jnp.maximum(cnt, 1.0)
    agg = jnp.dot(aggp, ggc_ref[...], preferred_element_type=f32)
    x = x_ref[...]
    gi = jnp.dot(agg, gih_ref[...], preferred_element_type=f32) + gbi_ref[...]
    gh = jnp.dot(x, ghh_ref[...], preferred_element_type=f32) + gbh_ref[...]
    r = jax.nn.sigmoid(gi[:, 0:F] + gh[:, 0:F])
    z = jax.nn.sigmoid(gi[:, F:2 * F] + gh[:, F:2 * F])
    n = jnp.tanh(gi[:, 2 * F:3 * F] + r * gh[:, 2 * F:3 * F])
    h_tilde = (1.0 - z) * n + z * x
    gates = jnp.dot(h_tilde, lih_ref[...], preferred_element_type=f32) \
        + lb_ref[...]
    i_g = jax.nn.sigmoid(gates[:, 0:H])
    g_g = jnp.tanh(gates[:, 2 * H:3 * H])
    o_g = jax.nn.sigmoid(gates[:, 3 * H:4 * H])
    c = i_g * g_g
    h_out = o_g * jnp.tanh(c)
    out_ref[...] = jnp.dot(jnp.maximum(h_out, 0.0), linw_ref[...],
                           preferred_element_type=f32) + linb_ref[...]


def _tc_stage(acc, cnt3, x, ggc, gihT, ghhT, gbi, gbh, lihT, lb, linwT, linb):
    grid = (N // RB,)
    full = lambda shape: pl.BlockSpec(shape, lambda i: (0,) * len(shape))
    return pl.pallas_call(
        _tc_body,
        grid=grid,
        in_specs=[
            pl.BlockSpec((NC, RB, F), lambda i: (0, i, 0)),
            pl.BlockSpec((NC, RB, 1), lambda i: (0, i, 0)),
            pl.BlockSpec((RB, F), lambda i: (i, 0)),
            full((F, F)),
            full((F, 3 * F)),
            full((F, 3 * F)),
            full((1, 3 * F)),
            full((1, 3 * F)),
            full((F, 4 * H)),
            full((1, 4 * H)),
            full((H, 1)),
            full((1, 1)),
        ],
        out_specs=pl.BlockSpec((RB, 1), lambda i: (i, 0)),
        out_shape=jax.ShapeDtypeStruct((N, 1), jnp.float32),
    )(acc, cnt3, x, ggc, gihT, ghhT, gbi, gbh, lihT, lb, linwT, linb)


@jax.jit
def kernel(x, edge_index, edge_weight, ggc_weight, gru_w_ih, gru_w_hh,
           gru_b_ih, gru_b_hh, lstm_w_ih, lstm_w_hh, lstm_b_ih, lstm_b_hh,
           lin_w, lin_b):
    padw = ((0, 0), (0, PAD))
    src2d = jnp.pad(edge_index[0].reshape(NW, EW), padw).reshape(E2)
    dst2d = jnp.pad(edge_index[1].reshape(NW, EW), padw).reshape(E2)
    w_p = jnp.pad(edge_weight.reshape(NW, EW), padw).reshape(E2)
    ce_p = jnp.pad(jnp.ones((NW, EW), jnp.float32), padw).reshape(E2)
    accT, cnt = _sc_aggregate(src2d, dst2d, w_p, ce_p, x)
    acc = jnp.transpose(accT, (0, 2, 1))
    cnt3 = cnt[..., None]
    return _tc_stage(
        acc, cnt3, x,
        ggc_weight,
        gru_w_ih.T, gru_w_hh.T,
        gru_b_ih[None, :], gru_b_hh[None, :],
        lstm_w_ih.T, (lstm_b_ih + lstm_b_hh)[None, :],
        lin_w.T, lin_b[None, :],
    )

# --- scband reference (transcript-rebuilt; emitter-appended) ---
"""Pipeline reference for scband-recurrent-gcn-26164940767928 (READ-ONLY COPY).

The authoritative reference and input builder live on the scoring server;
editing this copy changes nothing except your own understanding.
"""

import jax, jax.numpy as jnp
import numpy as np

N = 100000
E = 6400000
F = 4
H = 32

def setup_inputs(seed: int = 0):
    key = jax.random.key(seed)
    ks = jax.random.split(key, 16)
    x = jax.random.normal(ks[0], (N, F), dtype=jnp.float32)
    edge_index = jax.random.randint(ks[1], (2, E), 0, N, dtype=jnp.int32)
    edge_weight = jax.random.uniform(ks[2], (E,), dtype=jnp.float32)
    s = 0.1
    ggc_weight = jax.random.normal(ks[3], (F, F), dtype=jnp.float32) * s
    gru_w_ih = jax.random.normal(ks[4], (3 * F, F), dtype=jnp.float32) * s
    gru_w_hh = jax.random.normal(ks[5], (3 * F, F), dtype=jnp.float32) * s
    gru_b_ih = jax.random.normal(ks[6], (3 * F,), dtype=jnp.float32) * s
    gru_b_hh = jax.random.normal(ks[7], (3 * F,), dtype=jnp.float32) * s
    lstm_w_ih = jax.random.normal(ks[8], (4 * H, F), dtype=jnp.float32) * s
    lstm_w_hh = jax.random.normal(ks[9], (4 * H, H), dtype=jnp.float32) * s
    lstm_b_ih = jax.random.normal(ks[10], (4 * H,), dtype=jnp.float32) * s
    lstm_b_hh = jax.random.normal(ks[11], (4 * H,), dtype=jnp.float32) * s
    lin_w = jax.random.normal(ks[12], (1, H), dtype=jnp.float32) * s
    lin_b = jax.random.normal(ks[13], (1,), dtype=jnp.float32) * s
    return {"x": x, "edge_index": edge_index, "edge_weight": edge_weight,
            "ggc_weight": ggc_weight, "gru_w_ih": gru_w_ih, "gru_w_hh": gru_w_hh,
            "gru_b_ih": gru_b_ih, "gru_b_hh": gru_b_hh,
            "lstm_w_ih": lstm_w_ih, "lstm_w_hh": lstm_w_hh,
            "lstm_b_ih": lstm_b_ih, "lstm_b_hh": lstm_b_hh,
            "lin_w": lin_w, "lin_b": lin_b}

def reference(x, edge_index, edge_weight, ggc_weight, gru_w_ih, gru_w_hh, gru_b_ih, gru_b_hh, lstm_w_ih, lstm_w_hh, lstm_b_ih, lstm_b_hh, lin_w, lin_b):
    src = edge_index[0]
    dst = edge_index[1]
    # GatedGraphConv (num_layers=1, aggr='mean'): m = x @ W; propagate; GRUCell(m, x)
    m = x @ ggc_weight
    msg = edge_weight[:, None] * jnp.take(m, src, axis=0)
    agg = jax.ops.segment_sum(msg, dst, num_segments=N)
    cnt = jax.ops.segment_sum(jnp.ones((E,), jnp.float32), dst, num_segments=N)
    agg = agg / jnp.clip(cnt, 1.0, None)[:, None]
    # GRUCell: input=agg, hidden=x
    gi = agg @ gru_w_ih.T + gru_b_ih
    gh = x @ gru_w_hh.T + gru_b_hh
    i_r, i_z, i_n = jnp.split(gi, 3, axis=1)
    h_r, h_z, h_n = jnp.split(gh, 3, axis=1)
    r = jax.nn.sigmoid(i_r + h_r)
    z = jax.nn.sigmoid(i_z + h_z)
    n = jnp.tanh(i_n + r * h_n)
    h_tilde = (1.0 - z) * n + z * x
    # LSTM single step (seq_len=1, batch=N), zero initial state
    h0 = jnp.zeros((x.shape[0], H), dtype=jnp.float32)
    gates = h_tilde @ lstm_w_ih.T + lstm_b_ih + h0 @ lstm_w_hh.T + lstm_b_hh
    i_g, f_g, g_g, o_g = jnp.split(gates, 4, axis=1)
    i_g = jax.nn.sigmoid(i_g)
    f_g = jax.nn.sigmoid(f_g)
    g_g = jnp.tanh(g_g)
    o_g = jax.nn.sigmoid(o_g)
    c = i_g * g_g
    h_out = o_g * jnp.tanh(c)
    # outer module: relu + linear(32 -> 1)
    out = jax.nn.relu(h_out) @ lin_w.T + lin_b
    return out

if __name__ == "__main__":
    import jax
    _d = setup_inputs()
    print(jax.jit(kernel)(*tuple(_d.values())))

</pallas_src>

<mosaic_0001>
#map = affine_map<(d0, d1) -> (0)>
#map1 = affine_map<(d0, d1) -> (0, 0)>
#map2 = affine_map<(d0, d1) -> (0, 0, 0)>
module attributes {stable_mosaic.version = 14 : i64} {
  func.func @_sc_body(%arg0: i32, %arg1: i32, %arg2: memref<6422528xi32, #tpu.memory_space<hbm>>, %arg3: memref<6422528xi32, #tpu.memory_space<hbm>>, %arg4: memref<6422528xf32, #tpu.memory_space<hbm>>, %arg5: memref<6422528xf32, #tpu.memory_space<hbm>>, %arg6: memref<100000x4xf32, #tpu.memory_space<hbm>>, %arg7: memref<2000xf32, #tpu.memory_space<hbm>>, %arg8: memref<2x4x100000xf32, #tpu.memory_space<hbm>>, %arg9: memref<2x100000xf32, #tpu.memory_space<hbm>>, %arg10: memref<100000xf32, #tpu.memory_space<vmem_shared>>, %arg11: memref<100000xf32, #tpu.memory_space<vmem_shared>>, %arg12: memref<100000xf32, #tpu.memory_space<vmem_shared>>, %arg13: memref<100000xf32, #tpu.memory_space<vmem_shared>>, %arg14: memref<100000xf32, #tpu.memory_space<vmem_shared>>, %arg15: memref<4096xi32, #tpu.memory_space<vmem>>, %arg16: memref<4096xi32, #tpu.memory_space<vmem>>, %arg17: memref<4096xf32, #tpu.memory_space<vmem>>, %arg18: memref<4096xf32, #tpu.memory_space<vmem>>, %arg19: memref<4096x4xf32, #tpu.memory_space<vmem>>, %arg20: memref<4096xf32, #tpu.memory_space<vmem>>, %arg21: memref<4096xf32, #tpu.memory_space<vmem>>, %arg22: memref<4096xf32, #tpu.memory_space<vmem>>, %arg23: memref<4096xf32, #tpu.memory_space<vmem>>, %arg24: memref<!tpu.dma_semaphore, #tpu.memory_space<semaphore_mem>>, %arg25: memref<!tpu.dma_semaphore, #tpu.memory_space<semaphore_mem>>, %arg26: memref<!tpu.dma_semaphore, #tpu.memory_space<semaphore_mem>>) attributes {dimension_semantics = [#tpu.dimension_semantics<core_parallel>, #tpu.dimension_semantics<subcore_parallel>], iteration_bounds = array<i64: 2, 16>, scalar_prefetch = 0 : i64, scratch_operands = 17 : i64, tpu.core_type = #tpu.core_type<sc_vector_subcore>, window_params = [{transform_indices = #map}, {transform_indices = #map}, {transform_indices = #map}, {transform_indices = #map}, {transform_indices = #map1}, {transform_indices = #map}, {transform_indices = #map2}, {transform_indices = #map1}]} {
    %mul3A = arith.constant 16 : i32
    %mul3A_0 = arith.muli %arg0, %mul3A : i32
    %add3A = arith.addi %mul3A_0, %arg1 : i32
    %add3A_1 = arith.constant 0 : i32
    %add3A_2 = arith.addi %arg1, %add3A_1 : i32
    %mul3A_3 = arith.constant 2000 : i32
    %mul3A_4 = arith.muli %add3A_2, %mul3A_3 : i32
    "tpu.region"() ({
      %run_scoped3A_131 = tpu.sem_alloc : memref<!tpu.dma_semaphore, #tpu.memory_space<semaphore_mem>>
      %dma_start3A = tpu.memref_slice %arg10[%mul3A_4] : memref<100000xf32, #tpu.memory_space<vmem_shared>> -> memref<2000xf32, #tpu.memory_space<vmem_shared>>
      tpu.enqueue_dma source(%arg7 : memref<2000xf32, #tpu.memory_space<hbm>>) target(%dma_start3A : memref<2000xf32, #tpu.memory_space<vmem_shared>>) target_semaphore(%run_scoped3A_131 : memref<!tpu.dma_semaphore, #tpu.memory_space<semaphore_mem>>)
      %dma_wait3A = tpu.memref_slice %arg10[%mul3A_4] : memref<100000xf32, #tpu.memory_space<vmem_shared>> -> memref<2000xf32, #tpu.memory_space<vmem_shared>>
      tpu.wait_dma2 semaphore(%run_scoped3A_131 : memref<!tpu.dma_semaphore, #tpu.memory_space<semaphore_mem>>) src(%arg7 : memref<2000xf32, #tpu.memory_space<hbm>>) dst(%dma_wait3A : memref<2000xf32, #tpu.memory_space<vmem_shared>>)
      tpu.yield
    }) : () -> ()
    %mul3A_5 = arith.constant 2000 : i32
    %mul3A_6 = arith.muli %add3A_2, %mul3A_5 : i32
    "tpu.region"() ({
      %run_scoped3A_131 = tpu.sem_alloc : memref<!tpu.dma_semaphore, #tpu.memory_space<semaphore_mem>>
      %dma_start3A = tpu.memref_slice %arg11[%mul3A_6] : memref<100000xf32, #tpu.memory_space<vmem_shared>> -> memref<2000xf32, #tpu.memory_space<vmem_shared>>
      tpu.enqueue_dma source(%arg7 : memref<2000xf32, #tpu.memory_space<hbm>>) target(%dma_start3A : memref<2000xf32, #tpu.memory_space<vmem_shared>>) target_semaphore(%run_scoped3A_131 : memref<!tpu.dma_semaphore, #tpu.memory_space<semaphore_mem>>)
      %dma_wait3A = tpu.memref_slice %arg11[%mul3A_6] : memref<100000xf32, #tpu.memory_space<vmem_shared>> -> memref<2000xf32, #tpu.memory_space<vmem_shared>>
      tpu.wait_dma2 semaphore(%run_scoped3A_131 : memref<!tpu.dma_semaphore, #tpu.memory_space<semaphore_mem>>) src(%arg7 : memref<2000xf32, #tpu.memory_space<hbm>>) dst(%dma_wait3A : memref<2000xf32, #tpu.memory_space<vmem_shared>>)
      tpu.yield
    }) : () -> ()
    %mul3A_7 = arith.constant 2000 : i32
    %mul3A_8 = arith.muli %add3A_2, %mul3A_7 : i32
    "tpu.region"() ({
      %run_scoped3A_131 = tpu.sem_alloc : memref<!tpu.dma_semaphore, #tpu.memory_space<semaphore_mem>>
      %dma_start3A = tpu.memref_slice %arg12[%mul3A_8] : memref<100000xf32, #tpu.memory_space<vmem_shared>> -> memref<2000xf32, #tpu.memory_space<vmem_shared>>
      tpu.enqueue_dma source(%arg7 : memref<2000xf32, #tpu.memory_space<hbm>>) target(%dma_start3A : memref<2000xf32, #tpu.memory_space<vmem_shared>>) target_semaphore(%run_scoped3A_131 : memref<!tpu.dma_semaphore, #tpu.memory_space<semaphore_mem>>)
      %dma_wait3A = tpu.memref_slice %arg12[%mul3A_8] : memref<100000xf32, #tpu.memory_space<vmem_shared>> -> memref<2000xf32, #tpu.memory_space<vmem_shared>>
      tpu.wait_dma2 semaphore(%run_scoped3A_131 : memref<!tpu.dma_semaphore, #tpu.memory_space<semaphore_mem>>) src(%arg7 : memref<2000xf32, #tpu.memory_space<hbm>>) dst(%dma_wait3A : memref<2000xf32, #tpu.memory_space<vmem_shared>>)
      tpu.yield
    }) : () -> ()
    %mul3A_9 = arith.constant 2000 : i32
    %mul3A_10 = arith.muli %add3A_2, %mul3A_9 : i32
    "tpu.region"() ({
      %run_scoped3A_131 = tpu.sem_alloc : memref<!tpu.dma_semaphore, #tpu.memory_space<semaphore_mem>>
      %dma_start3A = tpu.memref_slice %arg13[%mul3A_10] : memref<100000xf32, #tpu.memory_space<vmem_shared>> -> memref<2000xf32, #tpu.memory_space<vmem_shared>>
      tpu.enqueue_dma source(%arg7 : memref<2000xf32, #tpu.memory_space<hbm>>) target(%dma_start3A : memref<2000xf32, #tpu.memory_space<vmem_shared>>) target_semaphore(%run_scoped3A_131 : memref<!tpu.dma_semaphore, #tpu.memory_space<semaphore_mem>>)
      %dma_wait3A = tpu.memref_slice %arg13[%mul3A_10] : memref<100000xf32, #tpu.memory_space<vmem_shared>> -> memref<2000xf32, #tpu.memory_space<vmem_shared>>
      tpu.wait_dma2 semaphore(%run_scoped3A_131 : memref<!tpu.dma_semaphore, #tpu.memory_space<semaphore_mem>>) src(%arg7 : memref<2000xf32, #tpu.memory_space<hbm>>) dst(%dma_wait3A : memref<2000xf32, #tpu.memory_space<vmem_shared>>)
      tpu.yield
    }) : () -> ()
    %mul3A_11 = arith.constant 2000 : i32
    %mul3A_12 = arith.muli %add3A_2, %mul3A_11 : i32
    "tpu.region"() ({
      %run_scoped3A_131 = tpu.sem_alloc : memref<!tpu.dma_semaphore, #tpu.memory_space<semaphore_mem>>
      %dma_start3A = tpu.memref_slice %arg14[%mul3A_12] : memref<100000xf32, #tpu.memory_space<vmem_shared>> -> memref<2000xf32, #tpu.memory_space<vmem_shared>>
      tpu.enqueue_dma source(%arg7 : memref<2000xf32, #tpu.memory_space<hbm>>) target(%dma_start3A : memref<2000xf32, #tpu.memory_space<vmem_shared>>) target_semaphore(%run_scoped3A_131 : memref<!tpu.dma_semaphore, #tpu.memory_space<semaphore_mem>>)
      %dma_wait3A = tpu.memref_slice %arg14[%mul3A_12] : memref<100000xf32, #tpu.memory_space<vmem_shared>> -> memref<2000xf32, #tpu.memory_space<vmem_shared>>
      tpu.wait_dma2 semaphore(%run_scoped3A_131 : memref<!tpu.dma_semaphore, #tpu.memory_space<semaphore_mem>>) src(%arg7 : memref<2000xf32, #tpu.memory_space<hbm>>) dst(%dma_wait3A : memref<2000xf32, #tpu.memory_space<vmem_shared>>)
      tpu.yield
    }) : () -> ()
    %add3A_13 = arith.constant 16 : i32
    %add3A_14 = arith.addi %arg1, %add3A_13 : i32
    %mul3A_15 = arith.constant 2000 : i32
    %mul3A_16 = arith.muli %add3A_14, %mul3A_15 : i32
    "tpu.region"() ({
      %run_scoped3A_131 = tpu.sem_alloc : memref<!tpu.dma_semaphore, #tpu.memory_space<semaphore_mem>>
      %dma_start3A = tpu.memref_slice %arg10[%mul3A_16] : memref<100000xf32, #tpu.memory_space<vmem_shared>> -> memref<2000xf32, #tpu.memory_space<vmem_shared>>
      tpu.enqueue_dma source(%arg7 : memref<2000xf32, #tpu.memory_space<hbm>>) target(%dma_start3A : memref<2000xf32, #tpu.memory_space<vmem_shared>>) target_semaphore(%run_scoped3A_131 : memref<!tpu.dma_semaphore, #tpu.memory_space<semaphore_mem>>)
      %dma_wait3A = tpu.memref_slice %arg10[%mul3A_16] : memref<100000xf32, #tpu.memory_space<vmem_shared>> -> memref<2000xf32, #tpu.memory_space<vmem_shared>>
      tpu.wait_dma2 semaphore(%run_scoped3A_131 : memref<!tpu.dma_semaphore, #tpu.memory_space<semaphore_mem>>) src(%arg7 : memref<2000xf32, #tpu.memory_space<hbm>>) dst(%dma_wait3A : memref<2000xf32, #tpu.memory_space<vmem_shared>>)
      tpu.yield
    }) : () -> ()
    %mul3A_17 = arith.constant 2000 : i32
    %mul3A_18 = arith.muli %add3A_14, %mul3A_17 : i32
    "tpu.region"() ({
      %run_scoped3A_131 = tpu.sem_alloc : memref<!tpu.dma_semaphore, #tpu.memory_space<semaphore_mem>>
      %dma_start3A = tpu.memref_slice %arg11[%mul3A_18] : memref<100000xf32, #tpu.memory_space<vmem_shared>> -> memref<2000xf32, #tpu.memory_space<vmem_shared>>
      tpu.enqueue_dma source(%arg7 : memref<2000xf32, #tpu.memory_space<hbm>>) target(%dma_start3A : memref<2000xf32, #tpu.memory_space<vmem_shared>>) target_semaphore(%run_scoped3A_131 : memref<!tpu.dma_semaphore, #tpu.memory_space<semaphore_mem>>)
      %dma_wait3A = tpu.memref_slice %arg11[%mul3A_18] : memref<100000xf32, #tpu.memory_space<vmem_shared>> -> memref<2000xf32, #tpu.memory_space<vmem_shared>>
      tpu.wait_dma2 semaphore(%run_scoped3A_131 : memref<!tpu.dma_semaphore, #tpu.memory_space<semaphore_mem>>) src(%arg7 : memref<2000xf32, #tpu.memory_space<hbm>>) dst(%dma_wait3A : memref<2000xf32, #tpu.memory_space<vmem_shared>>)
      tpu.yield
    }) : () -> ()
    %mul3A_19 = arith.constant 2000 : i32
    %mul3A_20 = arith.muli %add3A_14, %mul3A_19 : i32
    "tpu.region"() ({
      %run_scoped3A_131 = tpu.sem_alloc : memref<!tpu.dma_semaphore, #tpu.memory_space<semaphore_mem>>
      %dma_start3A = tpu.memref_slice %arg12[%mul3A_20] : memref<100000xf32, #tpu.memory_space<vmem_shared>> -> memref<2000xf32, #tpu.memory_space<vmem_shared>>
      tpu.enqueue_dma source(%arg7 : memref<2000xf32, #tpu.memory_space<hbm>>) target(%dma_start3A : memref<2000xf32, #tpu.memory_space<vmem_shared>>) target_semaphore(%run_scoped3A_131 : memref<!tpu.dma_semaphore, #tpu.memory_space<semaphore_mem>>)
      %dma_wait3A = tpu.memref_slice %arg12[%mul3A_20] : memref<100000xf32, #tpu.memory_space<vmem_shared>> -> memref<2000xf32, #tpu.memory_space<vmem_shared>>
      tpu.wait_dma2 semaphore(%run_scoped3A_131 : memref<!tpu.dma_semaphore, #tpu.memory_space<semaphore_mem>>) src(%arg7 : memref<2000xf32, #tpu.memory_space<hbm>>) dst(%dma_wait3A : memref<2000xf32, #tpu.memory_space<vmem_shared>>)
      tpu.yield
    }) : () -> ()
    %mul3A_21 = arith.constant 2000 : i32
    %mul3A_22 = arith.muli %add3A_14, %mul3A_21 : i32
    "tpu.region"() ({
      %run_scoped3A_131 = tpu.sem_alloc : memref<!tpu.dma_semaphore, #tpu.memory_space<semaphore_mem>>
      %dma_start3A = tpu.memref_slice %arg13[%mul3A_22] : memref<100000xf32, #tpu.memory_space<vmem_shared>> -> memref<2000xf32, #tpu.memory_space<vmem_shared>>
      tpu.enqueue_dma source(%arg7 : memref<2000xf32, #tpu.memory_space<hbm>>) target(%dma_start3A : memref<2000xf32, #tpu.memory_space<vmem_shared>>) target_semaphore(%run_scoped3A_131 : memref<!tpu.dma_semaphore, #tpu.memory_space<semaphore_mem>>)
      %dma_wait3A = tpu.memref_slice %arg13[%mul3A_22] : memref<100000xf32, #tpu.memory_space<vmem_shared>> -> memref<2000xf32, #tpu.memory_space<vmem_shared>>
      tpu.wait_dma2 semaphore(%run_scoped3A_131 : memref<!tpu.dma_semaphore, #tpu.memory_space<semaphore_mem>>) src(%arg7 : memref<2000xf32, #tpu.memory_space<hbm>>) dst(%dma_wait3A : memref<2000xf32, #tpu.memory_space<vmem_shared>>)
      tpu.yield
    }) : () -> ()
    %mul3A_23 = arith.constant 2000 : i32
    %mul3A_24 = arith.muli %add3A_14, %mul3A_23 : i32
    "tpu.region"() ({
      %run_scoped3A_131 = tpu.sem_alloc : memref<!tpu.dma_semaphore, #tpu.memory_space<semaphore_mem>>
      %dma_start3A = tpu.memref_slice %arg14[%mul3A_24] : memref<100000xf32, #tpu.memory_space<vmem_shared>> -> memref<2000xf32, #tpu.memory_space<vmem_shared>>
      tpu.enqueue_dma source(%arg7 : memref<2000xf32, #tpu.memory_space<hbm>>) target(%dma_start3A : memref<2000xf32, #tpu.memory_space<vmem_shared>>) target_semaphore(%run_scoped3A_131 : memref<!tpu.dma_semaphore, #tpu.memory_space<semaphore_mem>>)
      %dma_wait3A = tpu.memref_slice %arg14[%mul3A_24] : memref<100000xf32, #tpu.memory_space<vmem_shared>> -> memref<2000xf32, #tpu.memory_space<vmem_shared>>
      tpu.wait_dma2 semaphore(%run_scoped3A_131 : memref<!tpu.dma_semaphore, #tpu.memory_space<semaphore_mem>>) src(%arg7 : memref<2000xf32, #tpu.memory_space<hbm>>) dst(%dma_wait3A : memref<2000xf32, #tpu.memory_space<vmem_shared>>)
      tpu.yield
    }) : () -> ()
    %add3A_25 = arith.constant 32 : i32
    %add3A_26 = arith.addi %arg1, %add3A_25 : i32
    %mul3A_27 = arith.constant 2000 : i32
    %mul3A_28 = arith.muli %add3A_26, %mul3A_27 : i32
    "tpu.region"() ({
      %run_scoped3A_131 = tpu.sem_alloc : memref<!tpu.dma_semaphore, #tpu.memory_space<semaphore_mem>>
      %dma_start3A = tpu.memref_slice %arg10[%mul3A_28] : memref<100000xf32, #tpu.memory_space<vmem_shared>> -> memref<2000xf32, #tpu.memory_space<vmem_shared>>
      tpu.enqueue_dma source(%arg7 : memref<2000xf32, #tpu.memory_space<hbm>>) target(%dma_start3A : memref<2000xf32, #tpu.memory_space<vmem_shared>>) target_semaphore(%run_scoped3A_131 : memref<!tpu.dma_semaphore, #tpu.memory_space<semaphore_mem>>)
      %dma_wait3A = tpu.memref_slice %arg10[%mul3A_28] : memref<100000xf32, #tpu.memory_space<vmem_shared>> -> memref<2000xf32, #tpu.memory_space<vmem_shared>>
      tpu.wait_dma2 semaphore(%run_scoped3A_131 : memref<!tpu.dma_semaphore, #tpu.memory_space<semaphore_mem>>) src(%arg7 : memref<2000xf32, #tpu.memory_space<hbm>>) dst(%dma_wait3A : memref<2000xf32, #tpu.memory_space<vmem_shared>>)
      tpu.yield
    }) : () -> ()
    %mul3A_29 = arith.constant 2000 : i32
    %mul3A_30 = arith.muli %add3A_26, %mul3A_29 : i32
    "tpu.region"() ({
      %run_scoped3A_131 = tpu.sem_alloc : memref<!tpu.dma_semaphore, #tpu.memory_space<semaphore_mem>>
      %dma_start3A = tpu.memref_slice %arg11[%mul3A_30] : memref<100000xf32, #tpu.memory_space<vmem_shared>> -> memref<2000xf32, #tpu.memory_space<vmem_shared>>
      tpu.enqueue_dma source(%arg7 : memref<2000xf32, #tpu.memory_space<hbm>>) target(%dma_start3A : memref<2000xf32, #tpu.memory_space<vmem_shared>>) target_semaphore(%run_scoped3A_131 : memref<!tpu.dma_semaphore, #tpu.memory_space<semaphore_mem>>)
      %dma_wait3A = tpu.memref_slice %arg11[%mul3A_30] : memref<100000xf32, #tpu.memory_space<vmem_shared>> -> memref<2000xf32, #tpu.memory_space<vmem_shared>>
      tpu.wait_dma2 semaphore(%run_scoped3A_131 : memref<!tpu.dma_semaphore, #tpu.memory_space<semaphore_mem>>) src(%arg7 : memref<2000xf32, #tpu.memory_space<hbm>>) dst(%dma_wait3A : memref<2000xf32, #tpu.memory_space<vmem_shared>>)
      tpu.yield
    }) : () -> ()
    %mul3A_31 = arith.constant 2000 : i32
    %mul3A_32 = arith.muli %add3A_26, %mul3A_31 : i32
    "tpu.region"() ({
      %run_scoped3A_131 = tpu.sem_alloc : memref<!tpu.dma_semaphore, #tpu.memory_space<semaphore_mem>>
      %dma_start3A = tpu.memref_slice %arg12[%mul3A_32] : memref<100000xf32, #tpu.memory_space<vmem_shared>> -> memref<2000xf32, #tpu.memory_space<vmem_shared>>
      tpu.enqueue_dma source(%arg7 : memref<2000xf32, #tpu.memory_space<hbm>>) target(%dma_start3A : memref<2000xf32, #tpu.memory_space<vmem_shared>>) target_semaphore(%run_scoped3A_131 : memref<!tpu.dma_semaphore, #tpu.memory_space<semaphore_mem>>)
      %dma_wait3A = tpu.memref_slice %arg12[%mul3A_32] : memref<100000xf32, #tpu.memory_space<vmem_shared>> -> memref<2000xf32, #tpu.memory_space<vmem_shared>>
      tpu.wait_dma2 semaphore(%run_scoped3A_131 : memref<!tpu.dma_semaphore, #tpu.memory_space<semaphore_mem>>) src(%arg7 : memref<2000xf32, #tpu.memory_space<hbm>>) dst(%dma_wait3A : memref<2000xf32, #tpu.memory_space<vmem_shared>>)
      tpu.yield
    }) : () -> ()
    %mul3A_33 = arith.constant 2000 : i32
    %mul3A_34 = arith.muli %add3A_26, %mul3A_33 : i32
    "tpu.region"() ({
      %run_scoped3A_131 = tpu.sem_alloc : memref<!tpu.dma_semaphore, #tpu.memory_space<semaphore_mem>>
      %dma_start3A = tpu.memref_slice %arg13[%mul3A_34] : memref<100000xf32, #tpu.memory_space<vmem_shared>> -> memref<2000xf32, #tpu.memory_space<vmem_shared>>
      tpu.enqueue_dma source(%arg7 : memref<2000xf32, #tpu.memory_space<hbm>>) target(%dma_start3A : memref<2000xf32, #tpu.memory_space<vmem_shared>>) target_semaphore(%run_scoped3A_131 : memref<!tpu.dma_semaphore, #tpu.memory_space<semaphore_mem>>)
      %dma_wait3A = tpu.memref_slice %arg13[%mul3A_34] : memref<100000xf32, #tpu.memory_space<vmem_shared>> -> memref<2000xf32, #tpu.memory_space<vmem_shared>>
      tpu.wait_dma2 semaphore(%run_scoped3A_131 : memref<!tpu.dma_semaphore, #tpu.memory_space<semaphore_mem>>) src(%arg7 : memref<2000xf32, #tpu.memory_space<hbm>>) dst(%dma_wait3A : memref<2000xf32, #tpu.memory_space<vmem_shared>>)
      tpu.yield
    }) : () -> ()
    %mul3A_35 = arith.constant 2000 : i32
    %mul3A_36 = arith.muli %add3A_26, %mul3A_35 : i32
    "tpu.region"() ({
      %run_scoped3A_131 = tpu.sem_alloc : memref<!tpu.dma_semaphore, #tpu.memory_space<semaphore_mem>>
      %dma_start3A = tpu.memref_slice %arg14[%mul3A_36] : memref<100000xf32, #tpu.memory_space<vmem_shared>> -> memref<2000xf32, #tpu.memory_space<vmem_shared>>
      tpu.enqueue_dma source(%arg7 : memref<2000xf32, #tpu.memory_space<hbm>>) target(%dma_start3A : memref<2000xf32, #tpu.memory_space<vmem_shared>>) target_semaphore(%run_scoped3A_131 : memref<!tpu.dma_semaphore, #tpu.memory_space<semaphore_mem>>)
      %dma_wait3A = tpu.memref_slice %arg14[%mul3A_36] : memref<100000xf32, #tpu.memory_space<vmem_shared>> -> memref<2000xf32, #tpu.memory_space<vmem_shared>>
      tpu.wait_dma2 semaphore(%run_scoped3A_131 : memref<!tpu.dma_semaphore, #tpu.memory_space<semaphore_mem>>) src(%arg7 : memref<2000xf32, #tpu.memory_space<hbm>>) dst(%dma_wait3A : memref<2000xf32, #tpu.memory_space<vmem_shared>>)
      tpu.yield
    }) : () -> ()
    %add3A_37 = arith.constant 48 : i32
    %add3A_38 = arith.addi %arg1, %add3A_37 : i32
    %lt3A = arith.constant 2 : i32
    %lt3A_39 = arith.cmpi slt, %arg1, %lt3A : i32
    %convert_element_type3A = arith.extui %lt3A_39 : i1 to i32
    %cond3A = arith.constant 0 : i32
    %cond3A_40 = arith.cmpi ne, %convert_element_type3A, %cond3A : i32
    scf.if %cond3A_40 {
      %mul3A_131 = arith.constant 2000 : i32
      %mul3A_132 = arith.muli %add3A_38, %mul3A_131 : i32
      "tpu.region"() ({
        %run_scoped3A_141 = tpu.sem_alloc : memref<!tpu.dma_semaphore, #tpu.memory_space<semaphore_mem>>
        %dma_start3A = tpu.memref_slice %arg10[%mul3A_132] : memref<100000xf32, #tpu.memory_space<vmem_shared>> -> memref<2000xf32, #tpu.memory_space<vmem_shared>>
        tpu.enqueue_dma source(%arg7 : memref<2000xf32, #tpu.memory_space<hbm>>) target(%dma_start3A : memref<2000xf32, #tpu.memory_space<vmem_shared>>) target_semaphore(%run_scoped3A_141 : memref<!tpu.dma_semaphore, #tpu.memory_space<semaphore_mem>>)
        %dma_wait3A = tpu.memref_slice %arg10[%mul3A_132] : memref<100000xf32, #tpu.memory_space<vmem_shared>> -> memref<2000xf32, #tpu.memory_space<vmem_shared>>
        tpu.wait_dma2 semaphore(%run_scoped3A_141 : memref<!tpu.dma_semaphore, #tpu.memory_space<semaphore_mem>>) src(%arg7 : memref<2000xf32, #tpu.memory_space<hbm>>) dst(%dma_wait3A : memref<2000xf32, #tpu.memory_space<vmem_shared>>)
        tpu.yield
      }) : () -> ()
      %mul3A_133 = arith.constant 2000 : i32
      %mul3A_134 = arith.muli %add3A_38, %mul3A_133 : i32
      "tpu.region"() ({
        %run_scoped3A_141 = tpu.sem_alloc : memref<!tpu.dma_semaphore, #tpu.memory_space<semaphore_mem>>
        %dma_start3A = tpu.memref_slice %arg11[%mul3A_134] : memref<100000xf32, #tpu.memory_space<vmem_shared>> -> memref<2000xf32, #tpu.memory_space<vmem_shared>>
        tpu.enqueue_dma source(%arg7 : memref<2000xf32, #tpu.memory_space<hbm>>) target(%dma_start3A : memref<2000xf32, #tpu.memory_space<vmem_shared>>) target_semaphore(%run_scoped3A_141 : memref<!tpu.dma_semaphore, #tpu.memory_space<semaphore_mem>>)
        %dma_wait3A = tpu.memref_slice %arg11[%mul3A_134] : memref<100000xf32, #tpu.memory_space<vmem_shared>> -> memref<2000xf32, #tpu.memory_space<vmem_shared>>
        tpu.wait_dma2 semaphore(%run_scoped3A_141 : memref<!tpu.dma_semaphore, #tpu.memory_space<semaphore_mem>>) src(%arg7 : memref<2000xf32, #tpu.memory_space<hbm>>) dst(%dma_wait3A : memref<2000xf32, #tpu.memory_space<vmem_shared>>)
        tpu.yield
      }) : () -> ()
      %mul3A_135 = arith.constant 2000 : i32
      %mul3A_136 = arith.muli %add3A_38, %mul3A_135 : i32
      "tpu.region"() ({
        %run_scoped3A_141 = tpu.sem_alloc : memref<!tpu.dma_semaphore, #tpu.memory_space<semaphore_mem>>
        %dma_start3A = tpu.memref_slice %arg12[%mul3A_136] : memref<100000xf32, #tpu.memory_space<vmem_shared>> -> memref<2000xf32, #tpu.memory_space<vmem_shared>>
        tpu.enqueue_dma source(%arg7 : memref<2000xf32, #tpu.memory_space<hbm>>) target(%dma_start3A : memref<2000xf32, #tpu.memory_space<vmem_shared>>) target_semaphore(%run_scoped3A_141 : memref<!tpu.dma_semaphore, #tpu.memory_space<semaphore_mem>>)
        %dma_wait3A = tpu.memref_slice %arg12[%mul3A_136] : memref<100000xf32, #tpu.memory_space<vmem_shared>> -> memref<2000xf32, #tpu.memory_space<vmem_shared>>
        tpu.wait_dma2 semaphore(%run_scoped3A_141 : memref<!tpu.dma_semaphore, #tpu.memory_space<semaphore_mem>>) src(%arg7 : memref<2000xf32, #tpu.memory_space<hbm>>) dst(%dma_wait3A : memref<2000xf32, #tpu.memory_space<vmem_shared>>)
        tpu.yield
      }) : () -> ()
      %mul3A_137 = arith.constant 2000 : i32
      %mul3A_138 = arith.muli %add3A_38, %mul3A_137 : i32
      "tpu.region"() ({
        %run_scoped3A_141 = tpu.sem_alloc : memref<!tpu.dma_semaphore, #tpu.memory_space<semaphore_mem>>
        %dma_start3A = tpu.memref_slice %arg13[%mul3A_138] : memref<100000xf32, #tpu.memory_space<vmem_shared>> -> memref<2000xf32, #tpu.memory_space<vmem_shared>>
        tpu.enqueue_dma source(%arg7 : memref<2000xf32, #tpu.memory_space<hbm>>) target(%dma_start3A : memref<2000xf32, #tpu.memory_space<vmem_shared>>) target_semaphore(%run_scoped3A_141 : memref<!tpu.dma_semaphore, #tpu.memory_space<semaphore_mem>>)
        %dma_wait3A = tpu.memref_slice %arg13[%mul3A_138] : memref<100000xf32, #tpu.memory_space<vmem_shared>> -> memref<2000xf32, #tpu.memory_space<vmem_shared>>
        tpu.wait_dma2 semaphore(%run_scoped3A_141 : memref<!tpu.dma_semaphore, #tpu.memory_space<semaphore_mem>>) src(%arg7 : memref<2000xf32, #tpu.memory_space<hbm>>) dst(%dma_wait3A : memref<2000xf32, #tpu.memory_space<vmem_shared>>)
        tpu.yield
      }) : () -> ()
      %mul3A_139 = arith.constant 2000 : i32
      %mul3A_140 = arith.muli %add3A_38, %mul3A_139 : i32
      "tpu.region"() ({
        %run_scoped3A_141 = tpu.sem_alloc : memref<!tpu.dma_semaphore, #tpu.memory_space<semaphore_mem>>
        %dma_start3A = tpu.memref_slice %arg14[%mul3A_140] : memref<100000xf32, #tpu.memory_space<vmem_shared>> -> memref<2000xf32, #tpu.memory_space<vmem_shared>>
        tpu.enqueue_dma source(%arg7 : memref<2000xf32, #tpu.memory_space<hbm>>) target(%dma_start3A : memref<2000xf32, #tpu.memory_space<vmem_shared>>) target_semaphore(%run_scoped3A_141 : memref<!tpu.dma_semaphore, #tpu.memory_space<semaphore_mem>>)
        %dma_wait3A = tpu.memref_slice %arg14[%mul3A_140] : memref<100000xf32, #tpu.memory_space<vmem_shared>> -> memref<2000xf32, #tpu.memory_space<vmem_shared>>
        tpu.wait_dma2 semaphore(%run_scoped3A_141 : memref<!tpu.dma_semaphore, #tpu.memory_space<semaphore_mem>>) src(%arg7 : memref<2000xf32, #tpu.memory_space<hbm>>) dst(%dma_wait3A : memref<2000xf32, #tpu.memory_space<vmem_shared>>)
        tpu.yield
      }) : () -> ()
    } else {
    }
    %barrier3A = arith.constant 0 : index
    tpu.barrier barrier_id(%barrier3A)
    %iota3A = tpu.iota {dimensions = array<i32: 0>} : vector<16xi32>
    %scan3A = arith.constant 0 : i32
    %scan3A_41 = arith.constant 0 : i32
    %scan3A_42 = arith.constant 49 : i32
    %scan3A_43 = arith.addi %scan3A_41, %scan3A_42 : i32
    %scan3A_44 = arith.constant 1 : i32
    scf.for %scan3A_131 = %scan3A_41 to %scan3A_43 step %scan3A_44  : i32 {
      %mul3A_132 = arith.constant 200704 : i32
      %mul3A_133 = arith.muli %add3A, %mul3A_132 : i32
      %mul3A_134 = arith.constant 4096 : i32
      %mul3A_135 = arith.muli %scan3A_131, %mul3A_134 : i32
      %add3A_136 = arith.addi %mul3A_133, %mul3A_135 : i32
      %dma_start3A = tpu.memref_slice %arg2[%add3A_136] : memref<6422528xi32, #tpu.memory_space<hbm>> -> memref<4096xi32, #tpu.memory_space<hbm>>
      %dma_start3A_137 = tpu.memref_slice %arg2[%add3A_136] : memref<6422528xi32, #tpu.memory_space<hbm>> -> memref<4096xi32, #tpu.memory_space<hbm>>
      tpu.enqueue_dma source(%dma_start3A_137 : memref<4096xi32, #tpu.memory_space<hbm>>) target(%arg15 : memref<4096xi32, #tpu.memory_space<vmem>>) target_semaphore(%arg26 : memref<!tpu.dma_semaphore, #tpu.memory_space<semaphore_mem>>)
      %dma_start3A_138 = tpu.memref_slice %arg3[%add3A_136] : memref<6422528xi32, #tpu.memory_space<hbm>> -> memref<4096xi32, #tpu.memory_space<hbm>>
      %dma_start3A_139 = tpu.memref_slice %arg3[%add3A_136] : memref<6422528xi32, #tpu.memory_space<hbm>> -> memref<4096xi32, #tpu.memory_space<hbm>>
      tpu.enqueue_dma source(%dma_start3A_139 : memref<4096xi32, #tpu.memory_space<hbm>>) target(%arg16 : memref<4096xi32, #tpu.memory_space<vmem>>) target_semaphore(%arg26 : memref<!tpu.dma_semaphore, #tpu.memory_space<semaphore_mem>>)
      %dma_start3A_140 = tpu.memref_slice %arg4[%add3A_136] : memref<6422528xf32, #tpu.memory_space<hbm>> -> memref<4096xf32, #tpu.memory_space<hbm>>
      %dma_start3A_141 = tpu.memref_slice %arg4[%add3A_136] : memref<6422528xf32, #tpu.memory_space<hbm>> -> memref<4096xf32, #tpu.memory_space<hbm>>
      tpu.enqueue_dma source(%dma_start3A_141 : memref<4096xf32, #tpu.memory_space<hbm>>) target(%arg17 : memref<4096xf32, #tpu.memory_space<vmem>>) target_semaphore(%arg26 : memref<!tpu.dma_semaphore, #tpu.memory_space<semaphore_mem>>)
      %dma_start3A_142 = tpu.memref_slice %arg5[%add3A_136] : memref<6422528xf32, #tpu.memory_space<hbm>> -> memref<4096xf32, #tpu.memory_space<hbm>>
      %dma_start3A_143 = tpu.memref_slice %arg5[%add3A_136] : memref<6422528xf32, #tpu.memory_space<hbm>> -> memref<4096xf32, #tpu.memory_space<hbm>>
      tpu.enqueue_dma source(%dma_start3A_143 : memref<4096xf32, #tpu.memory_space<hbm>>) target(%arg18 : memref<4096xf32, #tpu.memory_space<vmem>>) target_semaphore(%arg26 : memref<!tpu.dma_semaphore, #tpu.memory_space<semaphore_mem>>)
      %dma_wait3A = tpu.memref_slice %arg2[%add3A_136] : memref<6422528xi32, #tpu.memory_space<hbm>> -> memref<4096xi32, #tpu.memory_space<hbm>>
      %dma_wait3A_144 = tpu.memref_slice %arg2[%add3A_136] : memref<6422528xi32, #tpu.memory_space<hbm>> -> memref<4096xi32, #tpu.memory_space<hbm>>
      tpu.wait_dma2 semaphore(%arg26 : memref<!tpu.dma_semaphore, #tpu.memory_space<semaphore_mem>>) src(%dma_wait3A_144 : memref<4096xi32, #tpu.memory_space<hbm>>) dst(%arg15 : memref<4096xi32, #tpu.memory_space<vmem>>)
      %dma_wait3A_145 = tpu.memref_slice %arg3[%add3A_136] : memref<6422528xi32, #tpu.memory_space<hbm>> -> memref<4096xi32, #tpu.memory_space<hbm>>
      %dma_wait3A_146 = tpu.memref_slice %arg3[%add3A_136] : memref<6422528xi32, #tpu.memory_space<hbm>> -> memref<4096xi32, #tpu.memory_space<hbm>>
      tpu.wait_dma2 semaphore(%arg26 : memref<!tpu.dma_semaphore, #tpu.memory_space<semaphore_mem>>) src(%dma_wait3A_146 : memref<4096xi32, #tpu.memory_space<hbm>>) dst(%arg16 : memref<4096xi32, #tpu.memory_space<vmem>>)
      %dma_wait3A_147 = tpu.memref_slice %arg4[%add3A_136] : memref<6422528xf32, #tpu.memory_space<hbm>> -> memref<4096xf32, #tpu.memory_space<hbm>>
      %dma_wait3A_148 = tpu.memref_slice %arg4[%add3A_136] : memref<6422528xf32, #tpu.memory_space<hbm>> -> memref<4096xf32, #tpu.memory_space<hbm>>
      tpu.wait_dma2 semaphore(%arg26 : memref<!tpu.dma_semaphore, #tpu.memory_space<semaphore_mem>>) src(%dma_wait3A_148 : memref<4096xf32, #tpu.memory_space<hbm>>) dst(%arg17 : memref<4096xf32, #tpu.memory_space<vmem>>)
      %dma_wait3A_149 = tpu.memref_slice %arg5[%add3A_136] : memref<6422528xf32, #tpu.memory_space<hbm>> -> memref<4096xf32, #tpu.memory_space<hbm>>
      %dma_wait3A_150 = tpu.memref_slice %arg5[%add3A_136] : memref<6422528xf32, #tpu.memory_space<hbm>> -> memref<4096xf32, #tpu.memory_space<hbm>>
      tpu.wait_dma2 semaphore(%arg26 : memref<!tpu.dma_semaphore, #tpu.memory_space<semaphore_mem>>) src(%dma_wait3A_150 : memref<4096xf32, #tpu.memory_space<hbm>>) dst(%arg18 : memref<4096xf32, #tpu.memory_space<vmem>>)
      %dma_start3A_151 = arith.constant 0 : i32
      %dma_start3A_152 = arith.constant 0 : i32
      %dma_start3A_153 = tpu.memref_slice %arg6[%dma_start3A_151, %dma_start3A_152] : memref<100000x4xf32, #tpu.memory_space<hbm>> -> memref<100000x4xf32, #tpu.memory_space<hbm>>
      tpu.enqueue_indirect_dma source(%dma_start3A_153 : memref<100000x4xf32, #tpu.memory_space<hbm>>) target(%arg19 : memref<4096x4xf32, #tpu.memory_space<vmem>>) offsets(%arg15 : memref<4096xi32, #tpu.memory_space<vmem>>) semaphore(%arg24 : memref<!tpu.dma_semaphore, #tpu.memory_space<semaphore_mem>>)
      %dma_wait3A_154 = arith.constant 0 : i32
      %dma_wait3A_155 = arith.constant 0 : i32
      %dma_wait3A_156 = tpu.memref_slice %arg6[%dma_wait3A_154, %dma_wait3A_155] : memref<100000x4xf32, #tpu.memory_space<hbm>> -> memref<100000x4xf32, #tpu.memory_space<hbm>>
      tpu.wait_indirect_dma semaphore(%arg24 : memref<!tpu.dma_semaphore, #tpu.memory_space<semaphore_mem>>) src(%dma_wait3A_156 : memref<100000x4xf32, #tpu.memory_space<hbm>>) dst(%arg19 : memref<4096x4xf32, #tpu.memory_space<vmem>>)
      %scan3A_157 = arith.constant 0 : i32
      %scan3A_158 = arith.constant 0 : i32
      %scan3A_159 = arith.constant 256 : i32
      %scan3A_160 = arith.addi %scan3A_158, %scan3A_159 : i32
      %scan3A_161 = arith.constant 1 : i32
      scf.for %scan3A_163 = %scan3A_158 to %scan3A_160 step %scan3A_161  : i32 {
        %mul3A_164 = arith.constant 16 : i32
        %mul3A_165 = arith.muli %scan3A_163, %mul3A_164 : i32
        %add3A_166 = vector.broadcast %mul3A_165 : i32 to vector<16xi32>
        %add3A_167 = arith.addi %iota3A, %add3A_166 : vector<16xi32>
        %get3A = arith.index_cast %mul3A_165 : i32 to index
        %get3A_168 = tpu.vector_load %arg17[%get3A] {strides = array<i32>} : memref<4096xf32, #tpu.memory_space<vmem>>, vector<16xf32>,
        %broadcast_in_dim3A = arith.constant 0 : i32
        %broadcast_in_dim3A_169 = vector.broadcast %broadcast_in_dim3A : i32 to vector<16xi32>
        %gather3A = tpu.vector_load_idx %arg19[%add3A_167, %broadcast_in_dim3A_169] : memref<4096x4xf32, #tpu.memory_space<vmem>>[vector<16xi32>, vector<16xi32>], vector<16xf32>,
        %mul3A_170 = arith.mulf %gather3A, %get3A_168 : vector<16xf32>
        %swap3A = arith.index_cast %mul3A_165 : i32 to index
        %swap3A_171 = tpu.vector_load %arg20[%swap3A] {strides = array<i32>} : memref<4096xf32, #tpu.memory_space<vmem>>, vector<16xf32>,
        tpu.vector_store %arg20[%swap3A], %mul3A_170 {strides = array<i32>} : memref<4096xf32, #tpu.memory_space<vmem>>, vector<16xf32>,
        %broadcast_in_dim3A_172 = arith.constant 1 : i32
        %broadcast_in_dim3A_173 = vector.broadcast %broadcast_in_dim3A_172 : i32 to vector<16xi32>
        %gather3A_174 = tpu.vector_load_idx %arg19[%add3A_167, %broadcast_in_dim3A_173] : memref<4096x4xf32, #tpu.memory_space<vmem>>[vector<16xi32>, vector<16xi32>], vector<16xf32>,
        %mul3A_175 = arith.mulf %gather3A_174, %get3A_168 : vector<16xf32>
        %swap3A_176 = arith.index_cast %mul3A_165 : i32 to index
        %swap3A_177 = tpu.vector_load %arg21[%swap3A_176] {strides = array<i32>} : memref<4096xf32, #tpu.memory_space<vmem>>, vector<16xf32>,
        tpu.vector_store %arg21[%swap3A_176], %mul3A_175 {strides = array<i32>} : memref<4096xf32, #tpu.memory_space<vmem>>, vector<16xf32>,
        %broadcast_in_dim3A_178 = arith.constant 2 : i32
        %broadcast_in_dim3A_179 = vector.broadcast %broadcast_in_dim3A_178 : i32 to vector<16xi32>
        %gather3A_180 = tpu.vector_load_idx %arg19[%add3A_167, %broadcast_in_dim3A_179] : memref<4096x4xf32, #tpu.memory_space<vmem>>[vector<16xi32>, vector<16xi32>], vector<16xf32>,
        %mul3A_181 = arith.mulf %gather3A_180, %get3A_168 : vector<16xf32>
        %swap3A_182 = arith.index_cast %mul3A_165 : i32 to index
        %swap3A_183 = tpu.vector_load %arg22[%swap3A_182] {strides = array<i32>} : memref<4096xf32, #tpu.memory_space<vmem>>, vector<16xf32>,
        tpu.vector_store %arg22[%swap3A_182], %mul3A_181 {strides = array<i32>} : memref<4096xf32, #tpu.memory_space<vmem>>, vector<16xf32>,
        %broadcast_in_dim3A_184 = arith.constant 3 : i32
        %broadcast_in_dim3A_185 = vector.broadcast %broadcast_in_dim3A_184 : i32 to vector<16xi32>
        %gather3A_186 = tpu.vector_load_idx %arg19[%add3A_167, %broadcast_in_dim3A_185] : memref<4096x4xf32, #tpu.memory_space<vmem>>[vector<16xi32>, vector<16xi32>], vector<16xf32>,
        %mul3A_187 = arith.mulf %gather3A_186, %get3A_168 : vector<16xf32>
        %swap3A_188 = arith.index_cast %mul3A_165 : i32 to index
        %swap3A_189 = tpu.vector_load %arg23[%swap3A_188] {strides = array<i32>} : memref<4096xf32, #tpu.memory_space<vmem>>, vector<16xf32>,
        tpu.vector_store %arg23[%swap3A_188], %mul3A_187 {strides = array<i32>} : memref<4096xf32, #tpu.memory_space<vmem>>, vector<16xf32>,
      }
      %scan3A_162 = arith.constant 256 : i32
      "tpu.region"() ({
        %run_scoped3A_163 = tpu.sem_alloc : memref<!tpu.dma_semaphore, #tpu.memory_space<semaphore_mem>>
        %dma_start3A_164 = arith.constant 0 : i32
        %dma_start3A_165 = tpu.memref_slice %arg10[%dma_start3A_164] : memref<100000xf32, #tpu.memory_space<vmem_shared>> -> memref<100000xf32, #tpu.memory_space<vmem_shared>>
        tpu.enqueue_indirect_dma source(%arg20 : memref<4096xf32, #tpu.memory_space<vmem>>) target(%dma_start3A_165 : memref<100000xf32, #tpu.memory_space<vmem_shared>>) offsets(%arg16 : memref<4096xi32, #tpu.memory_space<vmem>>) semaphore(%run_scoped3A_163 : memref<!tpu.dma_semaphore, #tpu.memory_space<semaphore_mem>>) {add = true}
        %dma_wait3A_166 = arith.constant 0 : i32
        %dma_wait3A_167 = tpu.memref_slice %arg10[%dma_wait3A_166] : memref<100000xf32, #tpu.memory_space<vmem_shared>> -> memref<100000xf32, #tpu.memory_space<vmem_shared>>
        tpu.wait_indirect_dma semaphore(%run_scoped3A_163 : memref<!tpu.dma_semaphore, #tpu.memory_space<semaphore_mem>>) src(%arg20 : memref<4096xf32, #tpu.memory_space<vmem>>) dst(%dma_wait3A_167 : memref<100000xf32, #tpu.memory_space<vmem_shared>>)
        tpu.yield
      }) : () -> ()
      "tpu.region"() ({
        %run_scoped3A_163 = tpu.sem_alloc : memref<!tpu.dma_semaphore, #tpu.memory_space<semaphore_mem>>
        %dma_start3A_164 = arith.constant 0 : i32
        %dma_start3A_165 = tpu.memref_slice %arg11[%dma_start3A_164] : memref<100000xf32, #tpu.memory_space<vmem_shared>> -> memref<100000xf32, #tpu.memory_space<vmem_shared>>
        tpu.enqueue_indirect_dma source(%arg21 : memref<4096xf32, #tpu.memory_space<vmem>>) target(%dma_start3A_165 : memref<100000xf32, #tpu.memory_space<vmem_shared>>) offsets(%arg16 : memref<4096xi32, #tpu.memory_space<vmem>>) semaphore(%run_scoped3A_163 : memref<!tpu.dma_semaphore, #tpu.memory_space<semaphore_mem>>) {add = true}
        %dma_wait3A_166 = arith.constant 0 : i32
        %dma_wait3A_167 = tpu.memref_slice %arg11[%dma_wait3A_166] : memref<100000xf32, #tpu.memory_space<vmem_shared>> -> memref<100000xf32, #tpu.memory_space<vmem_shared>>
        tpu.wait_indirect_dma semaphore(%run_scoped3A_163 : memref<!tpu.dma_semaphore, #tpu.memory_space<semaphore_mem>>) src(%arg21 : memref<4096xf32, #tpu.memory_space<vmem>>) dst(%dma_wait3A_167 : memref<100000xf32, #tpu.memory_space<vmem_shared>>)
        tpu.yield
      }) : () -> ()
      "tpu.region"() ({
        %run_scoped3A_163 = tpu.sem_alloc : memref<!tpu.dma_semaphore, #tpu.memory_space<semaphore_mem>>
        %dma_start3A_164 = arith.constant 0 : i32
        %dma_start3A_165 = tpu.memref_slice %arg12[%dma_start3A_164] : memref<100000xf32, #tpu.memory_space<vmem_shared>> -> memref<100000xf32, #tpu.memory_space<vmem_shared>>
        tpu.enqueue_indirect_dma source(%arg22 : memref<4096xf32, #tpu.memory_space<vmem>>) target(%dma_start3A_165 : memref<100000xf32, #tpu.memory_space<vmem_shared>>) offsets(%arg16 : memref<4096xi32, #tpu.memory_space<vmem>>) semaphore(%run_scoped3A_163 : memref<!tpu.dma_semaphore, #tpu.memory_space<semaphore_mem>>) {add = true}
        %dma_wait3A_166 = arith.constant 0 : i32
        %dma_wait3A_167 = tpu.memref_slice %arg12[%dma_wait3A_166] : memref<100000xf32, #tpu.memory_space<vmem_shared>> -> memref<100000xf32, #tpu.memory_space<vmem_shared>>
        tpu.wait_indirect_dma semaphore(%run_scoped3A_163 : memref<!tpu.dma_semaphore, #tpu.memory_space<semaphore_mem>>) src(%arg22 : memref<4096xf32, #tpu.memory_space<vmem>>) dst(%dma_wait3A_167 : memref<100000xf32, #tpu.memory_space<vmem_shared>>)
        tpu.yield
      }) : () -> ()
      "tpu.region"() ({
        %run_scoped3A_163 = tpu.sem_alloc : memref<!tpu.dma_semaphore, #tpu.memory_space<semaphore_mem>>
        %dma_start3A_164 = arith.constant 0 : i32
        %dma_start3A_165 = tpu.memref_slice %arg13[%dma_start3A_164] : memref<100000xf32, #tpu.memory_space<vmem_shared>> -> memref<100000xf32, #tpu.memory_space<vmem_shared>>
        tpu.enqueue_indirect_dma source(%arg23 : memref<4096xf32, #tpu.memory_space<vmem>>) target(%dma_start3A_165 : memref<100000xf32, #tpu.memory_space<vmem_shared>>) offsets(%arg16 : memref<4096xi32, #tpu.memory_space<vmem>>) semaphore(%run_scoped3A_163 : memref<!tpu.dma_semaphore, #tpu.memory_space<semaphore_mem>>) {add = true}
        %dma_wait3A_166 = arith.constant 0 : i32
        %dma_wait3A_167 = tpu.memref_slice %arg13[%dma_wait3A_166] : memref<100000xf32, #tpu.memory_space<vmem_shared>> -> memref<100000xf32, #tpu.memory_space<vmem_shared>>
        tpu.wait_indirect_dma semaphore(%run_scoped3A_163 : memref<!tpu.dma_semaphore, #tpu.memory_space<semaphore_mem>>) src(%arg23 : memref<4096xf32, #tpu.memory_space<vmem>>) dst(%dma_wait3A_167 : memref<100000xf32, #tpu.memory_space<vmem_shared>>)
        tpu.yield
      }) : () -> ()
      "tpu.region"() ({
        %run_scoped3A_163 = tpu.sem_alloc : memref<!tpu.dma_semaphore, #tpu.memory_space<semaphore_mem>>
        %dma_start3A_164 = arith.constant 0 : i32
        %dma_start3A_165 = tpu.memref_slice %arg14[%dma_start3A_164] : memref<100000xf32, #tpu.memory_space<vmem_shared>> -> memref<100000xf32, #tpu.memory_space<vmem_shared>>
        tpu.enqueue_indirect_dma source(%arg18 : memref<4096xf32, #tpu.memory_space<vmem>>) target(%dma_start3A_165 : memref<100000xf32, #tpu.memory_space<vmem_shared>>) offsets(%arg16 : memref<4096xi32, #tpu.memory_space<vmem>>) semaphore(%run_scoped3A_163 : memref<!tpu.dma_semaphore, #tpu.memory_space<semaphore_mem>>) {add = true}
        %dma_wait3A_166 = arith.constant 0 : i32
        %dma_wait3A_167 = tpu.memref_slice %arg14[%dma_wait3A_166] : memref<100000xf32, #tpu.memory_space<vmem_shared>> -> memref<100000xf32, #tpu.memory_space<vmem_shared>>
        tpu.wait_indirect_dma semaphore(%run_scoped3A_163 : memref<!tpu.dma_semaphore, #tpu.memory_space<semaphore_mem>>) src(%arg18 : memref<4096xf32, #tpu.memory_space<vmem>>) dst(%dma_wait3A_167 : memref<100000xf32, #tpu.memory_space<vmem_shared>>)
        tpu.yield
      }) : () -> ()
    }
    %scan3A_45 = arith.constant 49 : i32
    %barrier3A_46 = arith.constant 0 : index
    tpu.barrier barrier_id(%barrier3A_46)
    %add3A_47 = arith.constant 0 : i32
    %add3A_48 = arith.addi %arg1, %add3A_47 : i32
    %mul3A_49 = arith.constant 2000 : i32
    %mul3A_50 = arith.muli %add3A_48, %mul3A_49 : i32
    %mul3A_51 = arith.constant 2000 : i32
    %mul3A_52 = arith.muli %add3A_48, %mul3A_51 : i32
    %run_scoped3A = arith.constant 0 : i32
    "tpu.region"() ({
      %run_scoped3A_131 = tpu.sem_alloc : memref<!tpu.dma_semaphore, #tpu.memory_space<semaphore_mem>>
      %dma_start3A = tpu.memref_slice %arg8[%arg0, %run_scoped3A, %mul3A_52] : memref<2x4x100000xf32, #tpu.memory_space<hbm>> -> memref<1x1x2000xf32, #tpu.memory_space<hbm>>
      %dma_start3A_132 = tpu.memref_squeeze %dma_start3A : memref<1x1x2000xf32, #tpu.memory_space<hbm>> -> memref<2000xf32, #tpu.memory_space<hbm>>
      %dma_start3A_133 = tpu.memref_slice %arg10[%mul3A_50] : memref<100000xf32, #tpu.memory_space<vmem_shared>> -> memref<2000xf32, #tpu.memory_space<vmem_shared>>
      tpu.enqueue_dma source(%dma_start3A_133 : memref<2000xf32, #tpu.memory_space<vmem_shared>>) target(%dma_start3A_132 : memref<2000xf32, #tpu.memory_space<hbm>>) target_semaphore(%run_scoped3A_131 : memref<!tpu.dma_semaphore, #tpu.memory_space<semaphore_mem>>)
      %dma_wait3A = tpu.memref_slice %arg8[%arg0, %run_scoped3A, %mul3A_52] : memref<2x4x100000xf32, #tpu.memory_space<hbm>> -> memref<1x1x2000xf32, #tpu.memory_space<hbm>>
      %dma_wait3A_134 = tpu.memref_squeeze %dma_wait3A : memref<1x1x2000xf32, #tpu.memory_space<hbm>> -> memref<2000xf32, #tpu.memory_space<hbm>>
      %dma_wait3A_135 = tpu.memref_slice %arg10[%mul3A_50] : memref<100000xf32, #tpu.memory_space<vmem_shared>> -> memref<2000xf32, #tpu.memory_space<vmem_shared>>
      tpu.wait_dma2 semaphore(%run_scoped3A_131 : memref<!tpu.dma_semaphore, #tpu.memory_space<semaphore_mem>>) src(%dma_wait3A_135 : memref<2000xf32, #tpu.memory_space<vmem_shared>>) dst(%dma_wait3A_134 : memref<2000xf32, #tpu.memory_space<hbm>>)
      tpu.yield
    }) : () -> ()
    %mul3A_53 = arith.constant 2000 : i32
    %mul3A_54 = arith.muli %add3A_48, %mul3A_53 : i32
    %mul3A_55 = arith.constant 2000 : i32
    %mul3A_56 = arith.muli %add3A_48, %mul3A_55 : i32
    %run_scoped3A_57 = arith.constant 1 : i32
    "tpu.region"() ({
      %run_scoped3A_131 = tpu.sem_alloc : memref<!tpu.dma_semaphore, #tpu.memory_space<semaphore_mem>>
      %dma_start3A = tpu.memref_slice %arg8[%arg0, %run_scoped3A_57, %mul3A_56] : memref<2x4x100000xf32, #tpu.memory_space<hbm>> -> memref<1x1x2000xf32, #tpu.memory_space<hbm>>
      %dma_start3A_132 = tpu.memref_squeeze %dma_start3A : memref<1x1x2000xf32, #tpu.memory_space<hbm>> -> memref<2000xf32, #tpu.memory_space<hbm>>
      %dma_start3A_133 = tpu.memref_slice %arg11[%mul3A_54] : memref<100000xf32, #tpu.memory_space<vmem_shared>> -> memref<2000xf32, #tpu.memory_space<vmem_shared>>
      tpu.enqueue_dma source(%dma_start3A_133 : memref<2000xf32, #tpu.memory_space<vmem_shared>>) target(%dma_start3A_132 : memref<2000xf32, #tpu.memory_space<hbm>>) target_semaphore(%run_scoped3A_131 : memref<!tpu.dma_semaphore, #tpu.memory_space<semaphore_mem>>)
      %dma_wait3A = tpu.memref_slice %arg8[%arg0, %run_scoped3A_57, %mul3A_56] : memref<2x4x100000xf32, #tpu.memory_space<hbm>> -> memref<1x1x2000xf32, #tpu.memory_space<hbm>>
      %dma_wait3A_134 = tpu.memref_squeeze %dma_wait3A : memref<1x1x2000xf32, #tpu.memory_space<hbm>> -> memref<2000xf32, #tpu.memory_space<hbm>>
      %dma_wait3A_135 = tpu.memref_slice %arg11[%mul3A_54] : memref<100000xf32, #tpu.memory_space<vmem_shared>> -> memref<2000xf32, #tpu.memory_space<vmem_shared>>
      tpu.wait_dma2 semaphore(%run_scoped3A_131 : memref<!tpu.dma_semaphore, #tpu.memory_space<semaphore_mem>>) src(%dma_wait3A_135 : memref<2000xf32, #tpu.memory_space<vmem_shared>>) dst(%dma_wait3A_134 : memref<2000xf32, #tpu.memory_space<hbm>>)
      tpu.yield
    }) : () -> ()
    %mul3A_58 = arith.constant 2000 : i32
    %mul3A_59 = arith.muli %add3A_48, %mul3A_58 : i32
    %mul3A_60 = arith.constant 2000 : i32
    %mul3A_61 = arith.muli %add3A_48, %mul3A_60 : i32
    %run_scoped3A_62 = arith.constant 2 : i32
    "tpu.region"() ({
      %run_scoped3A_131 = tpu.sem_alloc : memref<!tpu.dma_semaphore, #tpu.memory_space<semaphore_mem>>
      %dma_start3A = tpu.memref_slice %arg8[%arg0, %run_scoped3A_62, %mul3A_61] : memref<2x4x100000xf32, #tpu.memory_space<hbm>> -> memref<1x1x2000xf32, #tpu.memory_space<hbm>>
      %dma_start3A_132 = tpu.memref_squeeze %dma_start3A : memref<1x1x2000xf32, #tpu.memory_space<hbm>> -> memref<2000xf32, #tpu.memory_space<hbm>>
      %dma_start3A_133 = tpu.memref_slice %arg12[%mul3A_59] : memref<100000xf32, #tpu.memory_space<vmem_shared>> -> memref<2000xf32, #tpu.memory_space<vmem_shared>>
      tpu.enqueue_dma source(%dma_start3A_133 : memref<2000xf32, #tpu.memory_space<vmem_shared>>) target(%dma_start3A_132 : memref<2000xf32, #tpu.memory_space<hbm>>) target_semaphore(%run_scoped3A_131 : memref<!tpu.dma_semaphore, #tpu.memory_space<semaphore_mem>>)
      %dma_wait3A = tpu.memref_slice %arg8[%arg0, %run_scoped3A_62, %mul3A_61] : memref<2x4x100000xf32, #tpu.memory_space<hbm>> -> memref<1x1x2000xf32, #tpu.memory_space<hbm>>
      %dma_wait3A_134 = tpu.memref_squeeze %dma_wait3A : memref<1x1x2000xf32, #tpu.memory_space<hbm>> -> memref<2000xf32, #tpu.memory_space<hbm>>
      %dma_wait3A_135 = tpu.memref_slice %arg12[%mul3A_59] : memref<100000xf32, #tpu.memory_space<vmem_shared>> -> memref<2000xf32, #tpu.memory_space<vmem_shared>>
      tpu.wait_dma2 semaphore(%run_scoped3A_131 : memref<!tpu.dma_semaphore, #tpu.memory_space<semaphore_mem>>) src(%dma_wait3A_135 : memref<2000xf32, #tpu.memory_space<vmem_shared>>) dst(%dma_wait3A_134 : memref<2000xf32, #tpu.memory_space<hbm>>)
      tpu.yield
    }) : () -> ()
    %mul3A_63 = arith.constant 2000 : i32
    %mul3A_64 = arith.muli %add3A_48, %mul3A_63 : i32
    %mul3A_65 = arith.constant 2000 : i32
    %mul3A_66 = arith.muli %add3A_48, %mul3A_65 : i32
    %run_scoped3A_67 = arith.constant 3 : i32
    "tpu.region"() ({
      %run_scoped3A_131 = tpu.sem_alloc : memref<!tpu.dma_semaphore, #tpu.memory_space<semaphore_mem>>
      %dma_start3A = tpu.memref_slice %arg8[%arg0, %run_scoped3A_67, %mul3A_66] : memref<2x4x100000xf32, #tpu.memory_space<hbm>> -> memref<1x1x2000xf32, #tpu.memory_space<hbm>>
      %dma_start3A_132 = tpu.memref_squeeze %dma_start3A : memref<1x1x2000xf32, #tpu.memory_space<hbm>> -> memref<2000xf32, #tpu.memory_space<hbm>>
      %dma_start3A_133 = tpu.memref_slice %arg13[%mul3A_64] : memref<100000xf32, #tpu.memory_space<vmem_shared>> -> memref<2000xf32, #tpu.memory_space<vmem_shared>>
      tpu.enqueue_dma source(%dma_start3A_133 : memref<2000xf32, #tpu.memory_space<vmem_shared>>) target(%dma_start3A_132 : memref<2000xf32, #tpu.memory_space<hbm>>) target_semaphore(%run_scoped3A_131 : memref<!tpu.dma_semaphore, #tpu.memory_space<semaphore_mem>>)
      %dma_wait3A = tpu.memref_slice %arg8[%arg0, %run_scoped3A_67, %mul3A_66] : memref<2x4x100000xf32, #tpu.memory_space<hbm>> -> memref<1x1x2000xf32, #tpu.memory_space<hbm>>
      %dma_wait3A_134 = tpu.memref_squeeze %dma_wait3A : memref<1x1x2000xf32, #tpu.memory_space<hbm>> -> memref<2000xf32, #tpu.memory_space<hbm>>
      %dma_wait3A_135 = tpu.memref_slice %arg13[%mul3A_64] : memref<100000xf32, #tpu.memory_space<vmem_shared>> -> memref<2000xf32, #tpu.memory_space<vmem_shared>>
      tpu.wait_dma2 semaphore(%run_scoped3A_131 : memref<!tpu.dma_semaphore, #tpu.memory_space<semaphore_mem>>) src(%dma_wait3A_135 : memref<2000xf32, #tpu.memory_space<vmem_shared>>) dst(%dma_wait3A_134 : memref<2000xf32, #tpu.memory_space<hbm>>)
      tpu.yield
    }) : () -> ()
    %mul3A_68 = arith.constant 2000 : i32
    %mul3A_69 = arith.muli %add3A_48, %mul3A_68 : i32
    %mul3A_70 = arith.constant 2000 : i32
    %mul3A_71 = arith.muli %add3A_48, %mul3A_70 : i32
    "tpu.region"() ({
      %run_scoped3A_131 = tpu.sem_alloc : memref<!tpu.dma_semaphore, #tpu.memory_space<semaphore_mem>>
      %dma_start3A = tpu.memref_slice %arg9[%arg0, %mul3A_71] : memref<2x100000xf32, #tpu.memory_space<hbm>> -> memref<1x2000xf32, #tpu.memory_space<hbm>>
      %dma_start3A_132 = tpu.memref_squeeze %dma_start3A : memref<1x2000xf32, #tpu.memory_space<hbm>> -> memref<2000xf32, #tpu.memory_space<hbm>>
      %dma_start3A_133 = tpu.memref_slice %arg14[%mul3A_69] : memref<100000xf32, #tpu.memory_space<vmem_shared>> -> memref<2000xf32, #tpu.memory_space<vmem_shared>>
      tpu.enqueue_dma source(%dma_start3A_133 : memref<2000xf32, #tpu.memory_space<vmem_shared>>) target(%dma_start3A_132 : memref<2000xf32, #tpu.memory_space<hbm>>) target_semaphore(%run_scoped3A_131 : memref<!tpu.dma_semaphore, #tpu.memory_space<semaphore_mem>>)
      %dma_wait3A = tpu.memref_slice %arg9[%arg0, %mul3A_71] : memref<2x100000xf32, #tpu.memory_space<hbm>> -> memref<1x2000xf32, #tpu.memory_space<hbm>>
      %dma_wait3A_134 = tpu.memref_squeeze %dma_wait3A : memref<1x2000xf32, #tpu.memory_space<hbm>> -> memref<2000xf32, #tpu.memory_space<hbm>>
      %dma_wait3A_135 = tpu.memref_slice %arg14[%mul3A_69] : memref<100000xf32, #tpu.memory_space<vmem_shared>> -> memref<2000xf32, #tpu.memory_space<vmem_shared>>
      tpu.wait_dma2 semaphore(%run_scoped3A_131 : memref<!tpu.dma_semaphore, #tpu.memory_space<semaphore_mem>>) src(%dma_wait3A_135 : memref<2000xf32, #tpu.memory_space<vmem_shared>>) dst(%dma_wait3A_134 : memref<2000xf32, #tpu.memory_space<hbm>>)
      tpu.yield
    }) : () -> ()
    %add3A_72 = arith.constant 16 : i32
    %add3A_73 = arith.addi %arg1, %add3A_72 : i32
    %mul3A_74 = arith.constant 2000 : i32
    %mul3A_75 = arith.muli %add3A_73, %mul3A_74 : i32
    %mul3A_76 = arith.constant 2000 : i32
    %mul3A_77 = arith.muli %add3A_73, %mul3A_76 : i32
    %run_scoped3A_78 = arith.constant 0 : i32
    "tpu.region"() ({
      %run_scoped3A_131 = tpu.sem_alloc : memref<!tpu.dma_semaphore, #tpu.memory_space<semaphore_mem>>
      %dma_start3A = tpu.memref_slice %arg8[%arg0, %run_scoped3A_78, %mul3A_77] : memref<2x4x100000xf32, #tpu.memory_space<hbm>> -> memref<1x1x2000xf32, #tpu.memory_space<hbm>>
      %dma_start3A_132 = tpu.memref_squeeze %dma_start3A : memref<1x1x2000xf32, #tpu.memory_space<hbm>> -> memref<2000xf32, #tpu.memory_space<hbm>>
      %dma_start3A_133 = tpu.memref_slice %arg10[%mul3A_75] : memref<100000xf32, #tpu.memory_space<vmem_shared>> -> memref<2000xf32, #tpu.memory_space<vmem_shared>>
      tpu.enqueue_dma source(%dma_start3A_133 : memref<2000xf32, #tpu.memory_space<vmem_shared>>) target(%dma_start3A_132 : memref<2000xf32, #tpu.memory_space<hbm>>) target_semaphore(%run_scoped3A_131 : memref<!tpu.dma_semaphore, #tpu.memory_space<semaphore_mem>>)
      %dma_wait3A = tpu.memref_slice %arg8[%arg0, %run_scoped3A_78, %mul3A_77] : memref<2x4x100000xf32, #tpu.memory_space<hbm>> -> memref<1x1x2000xf32, #tpu.memory_space<hbm>>
      %dma_wait3A_134 = tpu.memref_squeeze %dma_wait3A : memref<1x1x2000xf32, #tpu.memory_space<hbm>> -> memref<2000xf32, #tpu.memory_space<hbm>>
      %dma_wait3A_135 = tpu.memref_slice %arg10[%mul3A_75] : memref<100000xf32, #tpu.memory_space<vmem_shared>> -> memref<2000xf32, #tpu.memory_space<vmem_shared>>
      tpu.wait_dma2 semaphore(%run_scoped3A_131 : memref<!tpu.dma_semaphore, #tpu.memory_space<semaphore_mem>>) src(%dma_wait3A_135 : memref<2000xf32, #tpu.memory_space<vmem_shared>>) dst(%dma_wait3A_134 : memref<2000xf32, #tpu.memory_space<hbm>>)
      tpu.yield
    }) : () -> ()
    %mul3A_79 = arith.constant 2000 : i32
    %mul3A_80 = arith.muli %add3A_73, %mul3A_79 : i32
    %mul3A_81 = arith.constant 2000 : i32
    %mul3A_82 = arith.muli %add3A_73, %mul3A_81 : i32
    %run_scoped3A_83 = arith.constant 1 : i32
    "tpu.region"() ({
      %run_scoped3A_131 = tpu.sem_alloc : memref<!tpu.dma_semaphore, #tpu.memory_space<semaphore_mem>>
      %dma_start3A = tpu.memref_slice %arg8[%arg0, %run_scoped3A_83, %mul3A_82] : memref<2x4x100000xf32, #tpu.memory_space<hbm>> -> memref<1x1x2000xf32, #tpu.memory_space<hbm>>
      %dma_start3A_132 = tpu.memref_squeeze %dma_start3A : memref<1x1x2000xf32, #tpu.memory_space<hbm>> -> memref<2000xf32, #tpu.memory_space<hbm>>
      %dma_start3A_133 = tpu.memref_slice %arg11[%mul3A_80] : memref<100000xf32, #tpu.memory_space<vmem_shared>> -> memref<2000xf32, #tpu.memory_space<vmem_shared>>
      tpu.enqueue_dma source(%dma_start3A_133 : memref<2000xf32, #tpu.memory_space<vmem_shared>>) target(%dma_start3A_132 : memref<2000xf32, #tpu.memory_space<hbm>>) target_semaphore(%run_scoped3A_131 : memref<!tpu.dma_semaphore, #tpu.memory_space<semaphore_mem>>)
      %dma_wait3A = tpu.memref_slice %arg8[%arg0, %run_scoped3A_83, %mul3A_82] : memref<2x4x100000xf32, #tpu.memory_space<hbm>> -> memref<1x1x2000xf32, #tpu.memory_space<hbm>>
      %dma_wait3A_134 = tpu.memref_squeeze %dma_wait3A : memref<1x1x2000xf32, #tpu.memory_space<hbm>> -> memref<2000xf32, #tpu.memory_space<hbm>>
      %dma_wait3A_135 = tpu.memref_slice %arg11[%mul3A_80] : memref<100000xf32, #tpu.memory_space<vmem_shared>> -> memref<2000xf32, #tpu.memory_space<vmem_shared>>
      tpu.wait_dma2 semaphore(%run_scoped3A_131 : memref<!tpu.dma_semaphore, #tpu.memory_space<semaphore_mem>>) src(%dma_wait3A_135 : memref<2000xf32, #tpu.memory_space<vmem_shared>>) dst(%dma_wait3A_134 : memref<2000xf32, #tpu.memory_space<hbm>>)
      tpu.yield
    }) : () -> ()
    %mul3A_84 = arith.constant 2000 : i32
    %mul3A_85 = arith.muli %add3A_73, %mul3A_84 : i32
    %mul3A_86 = arith.constant 2000 : i32
    %mul3A_87 = arith.muli %add3A_73, %mul3A_86 : i32
    %run_scoped3A_88 = arith.constant 2 : i32
    "tpu.region"() ({
      %run_scoped3A_131 = tpu.sem_alloc : memref<!tpu.dma_semaphore, #tpu.memory_space<semaphore_mem>>
      %dma_start3A = tpu.memref_slice %arg8[%arg0, %run_scoped3A_88, %mul3A_87] : memref<2x4x100000xf32, #tpu.memory_space<hbm>> -> memref<1x1x2000xf32, #tpu.memory_space<hbm>>
      %dma_start3A_132 = tpu.memref_squeeze %dma_start3A : memref<1x1x2000xf32, #tpu.memory_space<hbm>> -> memref<2000xf32, #tpu.memory_space<hbm>>
      %dma_start3A_133 = tpu.memref_slice %arg12[%mul3A_85] : memref<100000xf32, #tpu.memory_space<vmem_shared>> -> memref<2000xf32, #tpu.memory_space<vmem_shared>>
      tpu.enqueue_dma source(%dma_start3A_133 : memref<2000xf32, #tpu.memory_space<vmem_shared>>) target(%dma_start3A_132 : memref<2000xf32, #tpu.memory_space<hbm>>) target_semaphore(%run_scoped3A_131 : memref<!tpu.dma_semaphore, #tpu.memory_space<semaphore_mem>>)
      %dma_wait3A = tpu.memref_slice %arg8[%arg0, %run_scoped3A_88, %mul3A_87] : memref<2x4x100000xf32, #tpu.memory_space<hbm>> -> memref<1x1x2000xf32, #tpu.memory_space<hbm>>
      %dma_wait3A_134 = tpu.memref_squeeze %dma_wait3A : memref<1x1x2000xf32, #tpu.memory_space<hbm>> -> memref<2000xf32, #tpu.memory_space<hbm>>
      %dma_wait3A_135 = tpu.memref_slice %arg12[%mul3A_85] : memref<100000xf32, #tpu.memory_space<vmem_shared>> -> memref<2000xf32, #tpu.memory_space<vmem_shared>>
      tpu.wait_dma2 semaphore(%run_scoped3A_131 : memref<!tpu.dma_semaphore, #tpu.memory_space<semaphore_mem>>) src(%dma_wait3A_135 : memref<2000xf32, #tpu.memory_space<vmem_shared>>) dst(%dma_wait3A_134 : memref<2000xf32, #tpu.memory_space<hbm>>)
      tpu.yield
    }) : () -> ()
    %mul3A_89 = arith.constant 2000 : i32
    %mul3A_90 = arith.muli %add3A_73, %mul3A_89 : i32
    %mul3A_91 = arith.constant 2000 : i32
    %mul3A_92 = arith.muli %add3A_73, %mul3A_91 : i32
    %run_scoped3A_93 = arith.constant 3 : i32
    "tpu.region"() ({
      %run_scoped3A_131 = tpu.sem_alloc : memref<!tpu.dma_semaphore, #tpu.memory_space<semaphore_mem>>
      %dma_start3A = tpu.memref_slice %arg8[%arg0, %run_scoped3A_93, %mul3A_92] : memref<2x4x100000xf32, #tpu.memory_space<hbm>> -> memref<1x1x2000xf32, #tpu.memory_space<hbm>>
      %dma_start3A_132 = tpu.memref_squeeze %dma_start3A : memref<1x1x2000xf32, #tpu.memory_space<hbm>> -> memref<2000xf32, #tpu.memory_space<hbm>>
      %dma_start3A_133 = tpu.memref_slice %arg13[%mul3A_90] : memref<100000xf32, #tpu.memory_space<vmem_shared>> -> memref<2000xf32, #tpu.memory_space<vmem_shared>>
      tpu.enqueue_dma source(%dma_start3A_133 : memref<2000xf32, #tpu.memory_space<vmem_shared>>) target(%dma_start3A_132 : memref<2000xf32, #tpu.memory_space<hbm>>) target_semaphore(%run_scoped3A_131 : memref<!tpu.dma_semaphore, #tpu.memory_space<semaphore_mem>>)
      %dma_wait3A = tpu.memref_slice %arg8[%arg0, %run_scoped3A_93, %mul3A_92] : memref<2x4x100000xf32, #tpu.memory_space<hbm>> -> memref<1x1x2000xf32, #tpu.memory_space<hbm>>
      %dma_wait3A_134 = tpu.memref_squeeze %dma_wait3A : memref<1x1x2000xf32, #tpu.memory_space<hbm>> -> memref<2000xf32, #tpu.memory_space<hbm>>
      %dma_wait3A_135 = tpu.memref_slice %arg13[%mul3A_90] : memref<100000xf32, #tpu.memory_space<vmem_shared>> -> memref<2000xf32, #tpu.memory_space<vmem_shared>>
      tpu.wait_dma2 semaphore(%run_scoped3A_131 : memref<!tpu.dma_semaphore, #tpu.memory_space<semaphore_mem>>) src(%dma_wait3A_135 : memref<2000xf32, #tpu.memory_space<vmem_shared>>) dst(%dma_wait3A_134 : memref<2000xf32, #tpu.memory_space<hbm>>)
      tpu.yield
    }) : () -> ()
    %mul3A_94 = arith.constant 2000 : i32
    %mul3A_95 = arith.muli %add3A_73, %mul3A_94 : i32
    %mul3A_96 = arith.constant 2000 : i32
    %mul3A_97 = arith.muli %add3A_73, %mul3A_96 : i32
    "tpu.region"() ({
      %run_scoped3A_131 = tpu.sem_alloc : memref<!tpu.dma_semaphore, #tpu.memory_space<semaphore_mem>>
      %dma_start3A = tpu.memref_slice %arg9[%arg0, %mul3A_97] : memref<2x100000xf32, #tpu.memory_space<hbm>> -> memref<1x2000xf32, #tpu.memory_space<hbm>>
      %dma_start3A_132 = tpu.memref_squeeze %dma_start3A : memref<1x2000xf32, #tpu.memory_space<hbm>> -> memref<2000xf32, #tpu.memory_space<hbm>>
      %dma_start3A_133 = tpu.memref_slice %arg14[%mul3A_95] : memref<100000xf32, #tpu.memory_space<vmem_shared>> -> memref<2000xf32, #tpu.memory_space<vmem_shared>>
      tpu.enqueue_dma source(%dma_start3A_133 : memref<2000xf32, #tpu.memory_space<vmem_shared>>) target(%dma_start3A_132 : memref<2000xf32, #tpu.memory_space<hbm>>) target_semaphore(%run_scoped3A_131 : memref<!tpu.dma_semaphore, #tpu.memory_space<semaphore_mem>>)
      %dma_wait3A = tpu.memref_slice %arg9[%arg0, %mul3A_97] : memref<2x100000xf32, #tpu.memory_space<hbm>> -> memref<1x2000xf32, #tpu.memory_space<hbm>>
      %dma_wait3A_134 = tpu.memref_squeeze %dma_wait3A : memref<1x2000xf32, #tpu.memory_space<hbm>> -> memref<2000xf32, #tpu.memory_space<hbm>>
      %dma_wait3A_135 = tpu.memref_slice %arg14[%mul3A_95] : memref<100000xf32, #tpu.memory_space<vmem_shared>> -> memref<2000xf32, #tpu.memory_space<vmem_shared>>
      tpu.wait_dma2 semaphore(%run_scoped3A_131 : memref<!tpu.dma_semaphore, #tpu.memory_space<semaphore_mem>>) src(%dma_wait3A_135 : memref<2000xf32, #tpu.memory_space<vmem_shared>>) dst(%dma_wait3A_134 : memref<2000xf32, #tpu.memory_space<hbm>>)
      tpu.yield
    }) : () -> ()
    %add3A_98 = arith.constant 32 : i32
    %add3A_99 = arith.addi %arg1, %add3A_98 : i32
    %mul3A_100 = arith.constant 2000 : i32
    %mul3A_101 = arith.muli %add3A_99, %mul3A_100 : i32
    %mul3A_102 = arith.constant 2000 : i32
    %mul3A_103 = arith.muli %add3A_99, %mul3A_102 : i32
    %run_scoped3A_104 = arith.constant 0 : i32
    "tpu.region"() ({
      %run_scoped3A_131 = tpu.sem_alloc : memref<!tpu.dma_semaphore, #tpu.memory_space<semaphore_mem>>
      %dma_start3A = tpu.memref_slice %arg8[%arg0, %run_scoped3A_104, %mul3A_103] : memref<2x4x100000xf32, #tpu.memory_space<hbm>> -> memref<1x1x2000xf32, #tpu.memory_space<hbm>>
      %dma_start3A_132 = tpu.memref_squeeze %dma_start3A : memref<1x1x2000xf32, #tpu.memory_space<hbm>> -> memref<2000xf32, #tpu.memory_space<hbm>>
      %dma_start3A_133 = tpu.memref_slice %arg10[%mul3A_101] : memref<100000xf32, #tpu.memory_space<vmem_shared>> -> memref<2000xf32, #tpu.memory_space<vmem_shared>>
      tpu.enqueue_dma source(%dma_start3A_133 : memref<2000xf32, #tpu.memory_space<vmem_shared>>) target(%dma_start3A_132 : memref<2000xf32, #tpu.memory_space<hbm>>) target_semaphore(%run_scoped3A_131 : memref<!tpu.dma_semaphore, #tpu.memory_space<semaphore_mem>>)
      %dma_wait3A = tpu.memref_slice %arg8[%arg0, %run_scoped3A_104, %mul3A_103] : memref<2x4x100000xf32, #tpu.memory_space<hbm>> -> memref<1x1x2000xf32, #tpu.memory_space<hbm>>
      %dma_wait3A_134 = tpu.memref_squeeze %dma_wait3A : memref<1x1x2000xf32, #tpu.memory_space<hbm>> -> memref<2000xf32, #tpu.memory_space<hbm>>
      %dma_wait3A_135 = tpu.memref_slice %arg10[%mul3A_101] : memref<100000xf32, #tpu.memory_space<vmem_shared>> -> memref<2000xf32, #tpu.memory_space<vmem_shared>>
      tpu.wait_dma2 semaphore(%run_scoped3A_131 : memref<!tpu.dma_semaphore, #tpu.memory_space<semaphore_mem>>) src(%dma_wait3A_135 : memref<2000xf32, #tpu.memory_space<vmem_shared>>) dst(%dma_wait3A_134 : memref<2000xf32, #tpu.memory_space<hbm>>)
      tpu.yield
    }) : () -> ()
    %mul3A_105 = arith.constant 2000 : i32
    %mul3A_106 = arith.muli %add3A_99, %mul3A_105 : i32
    %mul3A_107 = arith.constant 2000 : i32
    %mul3A_108 = arith.muli %add3A_99, %mul3A_107 : i32
    %run_scoped3A_109 = arith.constant 1 : i32
    "tpu.region"() ({
      %run_scoped3A_131 = tpu.sem_alloc : memref<!tpu.dma_semaphore, #tpu.memory_space<semaphore_mem>>
      %dma_start3A = tpu.memref_slice %arg8[%arg0, %run_scoped3A_109, %mul3A_108] : memref<2x4x100000xf32, #tpu.memory_space<hbm>> -> memref<1x1x2000xf32, #tpu.memory_space<hbm>>
      %dma_start3A_132 = tpu.memref_squeeze %dma_start3A : memref<1x1x2000xf32, #tpu.memory_space<hbm>> -> memref<2000xf32, #tpu.memory_space<hbm>>
      %dma_start3A_133 = tpu.memref_slice %arg11[%mul3A_106] : memref<100000xf32, #tpu.memory_space<vmem_shared>> -> memref<2000xf32, #tpu.memory_space<vmem_shared>>
      tpu.enqueue_dma source(%dma_start3A_133 : memref<2000xf32, #tpu.memory_space<vmem_shared>>) target(%dma_start3A_132 : memref<2000xf32, #tpu.memory_space<hbm>>) target_semaphore(%run_scoped3A_131 : memref<!tpu.dma_semaphore, #tpu.memory_space<semaphore_mem>>)
      %dma_wait3A = tpu.memref_slice %arg8[%arg0, %run_scoped3A_109, %mul3A_108] : memref<2x4x100000xf32, #tpu.memory_space<hbm>> -> memref<1x1x2000xf32, #tpu.memory_space<hbm>>
      %dma_wait3A_134 = tpu.memref_squeeze %dma_wait3A : memref<1x1x2000xf32, #tpu.memory_space<hbm>> -> memref<2000xf32, #tpu.memory_space<hbm>>
      %dma_wait3A_135 = tpu.memref_slice %arg11[%mul3A_106] : memref<100000xf32, #tpu.memory_space<vmem_shared>> -> memref<2000xf32, #tpu.memory_space<vmem_shared>>
      tpu.wait_dma2 semaphore(%run_scoped3A_131 : memref<!tpu.dma_semaphore, #tpu.memory_space<semaphore_mem>>) src(%dma_wait3A_135 : memref<2000xf32, #tpu.memory_space<vmem_shared>>) dst(%dma_wait3A_134 : memref<2000xf32, #tpu.memory_space<hbm>>)
      tpu.yield
    }) : () -> ()
    %mul3A_110 = arith.constant 2000 : i32
    %mul3A_111 = arith.muli %add3A_99, %mul3A_110 : i32
    %mul3A_112 = arith.constant 2000 : i32
    %mul3A_113 = arith.muli %add3A_99, %mul3A_112 : i32
    %run_scoped3A_114 = arith.constant 2 : i32
    "tpu.region"() ({
      %run_scoped3A_131 = tpu.sem_alloc : memref<!tpu.dma_semaphore, #tpu.memory_space<semaphore_mem>>
      %dma_start3A = tpu.memref_slice %arg8[%arg0, %run_scoped3A_114, %mul3A_113] : memref<2x4x100000xf32, #tpu.memory_space<hbm>> -> memref<1x1x2000xf32, #tpu.memory_space<hbm>>
      %dma_start3A_132 = tpu.memref_squeeze %dma_start3A : memref<1x1x2000xf32, #tpu.memory_space<hbm>> -> memref<2000xf32, #tpu.memory_space<hbm>>
      %dma_start3A_133 = tpu.memref_slice %arg12[%mul3A_111] : memref<100000xf32, #tpu.memory_space<vmem_shared>> -> memref<2000xf32, #tpu.memory_space<vmem_shared>>
      tpu.enqueue_dma source(%dma_start3A_133 : memref<2000xf32, #tpu.memory_space<vmem_shared>>) target(%dma_start3A_132 : memref<2000xf32, #tpu.memory_space<hbm>>) target_semaphore(%run_scoped3A_131 : memref<!tpu.dma_semaphore, #tpu.memory_space<semaphore_mem>>)
      %dma_wait3A = tpu.memref_slice %arg8[%arg0, %run_scoped3A_114, %mul3A_113] : memref<2x4x100000xf32, #tpu.memory_space<hbm>> -> memref<1x1x2000xf32, #tpu.memory_space<hbm>>
      %dma_wait3A_134 = tpu.memref_squeeze %dma_wait3A : memref<1x1x2000xf32, #tpu.memory_space<hbm>> -> memref<2000xf32, #tpu.memory_space<hbm>>
      %dma_wait3A_135 = tpu.memref_slice %arg12[%mul3A_111] : memref<100000xf32, #tpu.memory_space<vmem_shared>> -> memref<2000xf32, #tpu.memory_space<vmem_shared>>
      tpu.wait_dma2 semaphore(%run_scoped3A_131 : memref<!tpu.dma_semaphore, #tpu.memory_space<semaphore_mem>>) src(%dma_wait3A_135 : memref<2000xf32, #tpu.memory_space<vmem_shared>>) dst(%dma_wait3A_134 : memref<2000xf32, #tpu.memory_space<hbm>>)
      tpu.yield
    }) : () -> ()
    %mul3A_115 = arith.constant 2000 : i32
    %mul3A_116 = arith.muli %add3A_99, %mul3A_115 : i32
    %mul3A_117 = arith.constant 2000 : i32
    %mul3A_118 = arith.muli %add3A_99, %mul3A_117 : i32
    %run_scoped3A_119 = arith.constant 3 : i32
    "tpu.region"() ({
      %run_scoped3A_131 = tpu.sem_alloc : memref<!tpu.dma_semaphore, #tpu.memory_space<semaphore_mem>>
      %dma_start3A = tpu.memref_slice %arg8[%arg0, %run_scoped3A_119, %mul3A_118] : memref<2x4x100000xf32, #tpu.memory_space<hbm>> -> memref<1x1x2000xf32, #tpu.memory_space<hbm>>
      %dma_start3A_132 = tpu.memref_squeeze %dma_start3A : memref<1x1x2000xf32, #tpu.memory_space<hbm>> -> memref<2000xf32, #tpu.memory_space<hbm>>
      %dma_start3A_133 = tpu.memref_slice %arg13[%mul3A_116] : memref<100000xf32, #tpu.memory_space<vmem_shared>> -> memref<2000xf32, #tpu.memory_space<vmem_shared>>
      tpu.enqueue_dma source(%dma_start3A_133 : memref<2000xf32, #tpu.memory_space<vmem_shared>>) target(%dma_start3A_132 : memref<2000xf32, #tpu.memory_space<hbm>>) target_semaphore(%run_scoped3A_131 : memref<!tpu.dma_semaphore, #tpu.memory_space<semaphore_mem>>)
      %dma_wait3A = tpu.memref_slice %arg8[%arg0, %run_scoped3A_119, %mul3A_118] : memref<2x4x100000xf32, #tpu.memory_space<hbm>> -> memref<1x1x2000xf32, #tpu.memory_space<hbm>>
      %dma_wait3A_134 = tpu.memref_squeeze %dma_wait3A : memref<1x1x2000xf32, #tpu.memory_space<hbm>> -> memref<2000xf32, #tpu.memory_space<hbm>>
      %dma_wait3A_135 = tpu.memref_slice %arg13[%mul3A_116] : memref<100000xf32, #tpu.memory_space<vmem_shared>> -> memref<2000xf32, #tpu.memory_space<vmem_shared>>
      tpu.wait_dma2 semaphore(%run_scoped3A_131 : memref<!tpu.dma_semaphore, #tpu.memory_space<semaphore_mem>>) src(%dma_wait3A_135 : memref<2000xf32, #tpu.memory_space<vmem_shared>>) dst(%dma_wait3A_134 : memref<2000xf32, #tpu.memory_space<hbm>>)
      tpu.yield
    }) : () -> ()
    %mul3A_120 = arith.constant 2000 : i32
    %mul3A_121 = arith.muli %add3A_99, %mul3A_120 : i32
    %mul3A_122 = arith.constant 2000 : i32
    %mul3A_123 = arith.muli %add3A_99, %mul3A_122 : i32
    "tpu.region"() ({
      %run_scoped3A_131 = tpu.sem_alloc : memref<!tpu.dma_semaphore, #tpu.memory_space<semaphore_mem>>
      %dma_start3A = tpu.memref_slice %arg9[%arg0, %mul3A_123] : memref<2x100000xf32, #tpu.memory_space<hbm>> -> memref<1x2000xf32, #tpu.memory_space<hbm>>
      %dma_start3A_132 = tpu.memref_squeeze %dma_start3A : memref<1x2000xf32, #tpu.memory_space<hbm>> -> memref<2000xf32, #tpu.memory_space<hbm>>
      %dma_start3A_133 = tpu.memref_slice %arg14[%mul3A_121] : memref<100000xf32, #tpu.memory_space<vmem_shared>> -> memref<2000xf32, #tpu.memory_space<vmem_shared>>
      tpu.enqueue_dma source(%dma_start3A_133 : memref<2000xf32, #tpu.memory_space<vmem_shared>>) target(%dma_start3A_132 : memref<2000xf32, #tpu.memory_space<hbm>>) target_semaphore(%run_scoped3A_131 : memref<!tpu.dma_semaphore, #tpu.memory_space<semaphore_mem>>)
      %dma_wait3A = tpu.memref_slice %arg9[%arg0, %mul3A_123] : memref<2x100000xf32, #tpu.memory_space<hbm>> -> memref<1x2000xf32, #tpu.memory_space<hbm>>
      %dma_wait3A_134 = tpu.memref_squeeze %dma_wait3A : memref<1x2000xf32, #tpu.memory_space<hbm>> -> memref<2000xf32, #tpu.memory_space<hbm>>
      %dma_wait3A_135 = tpu.memref_slice %arg14[%mul3A_121] : memref<100000xf32, #tpu.memory_space<vmem_shared>> -> memref<2000xf32, #tpu.memory_space<vmem_shared>>
      tpu.wait_dma2 semaphore(%run_scoped3A_131 : memref<!tpu.dma_semaphore, #tpu.memory_space<semaphore_mem>>) src(%dma_wait3A_135 : memref<2000xf32, #tpu.memory_space<vmem_shared>>) dst(%dma_wait3A_134 : memref<2000xf32, #tpu.memory_space<hbm>>)
      tpu.yield
    }) : () -> ()
    %add3A_124 = arith.constant 48 : i32
    %add3A_125 = arith.addi %arg1, %add3A_124 : i32
    %lt3A_126 = arith.constant 2 : i32
    %lt3A_127 = arith.cmpi slt, %arg1, %lt3A_126 : i32
    %convert_element_type3A_128 = arith.extui %lt3A_127 : i1 to i32
    %cond3A_129 = arith.constant 0 : i32
    %cond3A_130 = arith.cmpi ne, %convert_element_type3A_128, %cond3A_129 : i32
    scf.if %cond3A_130 {
      %mul3A_131 = arith.constant 2000 : i32
      %mul3A_132 = arith.muli %add3A_125, %mul3A_131 : i32
      %mul3A_133 = arith.constant 2000 : i32
      %mul3A_134 = arith.muli %add3A_125, %mul3A_133 : i32
      %run_scoped3A_135 = arith.constant 0 : i32
      "tpu.region"() ({
        %run_scoped3A_155 = tpu.sem_alloc : memref<!tpu.dma_semaphore, #tpu.memory_space<semaphore_mem>>
        %dma_start3A = tpu.memref_slice %arg8[%arg0, %run_scoped3A_135, %mul3A_134] : memref<2x4x100000xf32, #tpu.memory_space<hbm>> -> memref<1x1x2000xf32, #tpu.memory_space<hbm>>
        %dma_start3A_156 = tpu.memref_squeeze %dma_start3A : memref<1x1x2000xf32, #tpu.memory_space<hbm>> -> memref<2000xf32, #tpu.memory_space<hbm>>
        %dma_start3A_157 = tpu.memref_slice %arg10[%mul3A_132] : memref<100000xf32, #tpu.memory_space<vmem_shared>> -> memref<2000xf32, #tpu.memory_space<vmem_shared>>
        tpu.enqueue_dma source(%dma_start3A_157 : memref<2000xf32, #tpu.memory_space<vmem_shared>>) target(%dma_start3A_156 : memref<2000xf32, #tpu.memory_space<hbm>>) target_semaphore(%run_scoped3A_155 : memref<!tpu.dma_semaphore, #tpu.memory_space<semaphore_mem>>)
        %dma_wait3A = tpu.memref_slice %arg8[%arg0, %run_scoped3A_135, %mul3A_134] : memref<2x4x100000xf32, #tpu.memory_space<hbm>> -> memref<1x1x2000xf32, #tpu.memory_space<hbm>>
        %dma_wait3A_158 = tpu.memref_squeeze %dma_wait3A : memref<1x1x2000xf32, #tpu.memory_space<hbm>> -> memref<2000xf32, #tpu.memory_space<hbm>>
        %dma_wait3A_159 = tpu.memref_slice %arg10[%mul3A_132] : memref<100000xf32, #tpu.memory_space<vmem_shared>> -> memref<2000xf32, #tpu.memory_space<vmem_shared>>
        tpu.wait_dma2 semaphore(%run_scoped3A_155 : memref<!tpu.dma_semaphore, #tpu.memory_space<semaphore_mem>>) src(%dma_wait3A_159 : memref<2000xf32, #tpu.memory_space<vmem_shared>>) dst(%dma_wait3A_158 : memref<2000xf32, #tpu.memory_space<hbm>>)
        tpu.yield
      }) : () -> ()
      %mul3A_136 = arith.constant 2000 : i32
      %mul3A_137 = arith.muli %add3A_125, %mul3A_136 : i32
      %mul3A_138 = arith.constant 2000 : i32
      %mul3A_139 = arith.muli %add3A_125, %mul3A_138 : i32
      %run_scoped3A_140 = arith.constant 1 : i32
      "tpu.region"() ({
        %run_scoped3A_155 = tpu.sem_alloc : memref<!tpu.dma_semaphore, #tpu.memory_space<semaphore_mem>>
        %dma_start3A = tpu.memref_slice %arg8[%arg0, %run_scoped3A_140, %mul3A_139] : memref<2x4x100000xf32, #tpu.memory_space<hbm>> -> memref<1x1x2000xf32, #tpu.memory_space<hbm>>
        %dma_start3A_156 = tpu.memref_squeeze %dma_start3A : memref<1x1x2000xf32, #tpu.memory_space<hbm>> -> memref<2000xf32, #tpu.memory_space<hbm>>
        %dma_start3A_157 = tpu.memref_slice %arg11[%mul3A_137] : memref<100000xf32, #tpu.memory_space<vmem_shared>> -> memref<2000xf32, #tpu.memory_space<vmem_shared>>
        tpu.enqueue_dma source(%dma_start3A_157 : memref<2000xf32, #tpu.memory_space<vmem_shared>>) target(%dma_start3A_156 : memref<2000xf32, #tpu.memory_space<hbm>>) target_semaphore(%run_scoped3A_155 : memref<!tpu.dma_semaphore, #tpu.memory_space<semaphore_mem>>)
        %dma_wait3A = tpu.memref_slice %arg8[%arg0, %run_scoped3A_140, %mul3A_139] : memref<2x4x100000xf32, #tpu.memory_space<hbm>> -> memref<1x1x2000xf32, #tpu.memory_space<hbm>>
        %dma_wait3A_158 = tpu.memref_squeeze %dma_wait3A : memref<1x1x2000xf32, #tpu.memory_space<hbm>> -> memref<2000xf32, #tpu.memory_space<hbm>>
        %dma_wait3A_159 = tpu.memref_slice %arg11[%mul3A_137] : memref<100000xf32, #tpu.memory_space<vmem_shared>> -> memref<2000xf32, #tpu.memory_space<vmem_shared>>
        tpu.wait_dma2 semaphore(%run_scoped3A_155 : memref<!tpu.dma_semaphore, #tpu.memory_space<semaphore_mem>>) src(%dma_wait3A_159 : memref<2000xf32, #tpu.memory_space<vmem_shared>>) dst(%dma_wait3A_158 : memref<2000xf32, #tpu.memory_space<hbm>>)
        tpu.yield
      }) : () -> ()
      %mul3A_141 = arith.constant 2000 : i32
      %mul3A_142 = arith.muli %add3A_125, %mul3A_141 : i32
      %mul3A_143 = arith.constant 2000 : i32
      %mul3A_144 = arith.muli %add3A_125, %mul3A_143 : i32
      %run_scoped3A_145 = arith.constant 2 : i32
      "tpu.region"() ({
        %run_scoped3A_155 = tpu.sem_alloc : memref<!tpu.dma_semaphore, #tpu.memory_space<semaphore_mem>>
        %dma_start3A = tpu.memref_slice %arg8[%arg0, %run_scoped3A_145, %mul3A_144] : memref<2x4x100000xf32, #tpu.memory_space<hbm>> -> memref<1x1x2000xf32, #tpu.memory_space<hbm>>
        %dma_start3A_156 = tpu.memref_squeeze %dma_start3A : memref<1x1x2000xf32, #tpu.memory_space<hbm>> -> memref<2000xf32, #tpu.memory_space<hbm>>
        %dma_start3A_157 = tpu.memref_slice %arg12[%mul3A_142] : memref<100000xf32, #tpu.memory_space<vmem_shared>> -> memref<2000xf32, #tpu.memory_space<vmem_shared>>
        tpu.enqueue_dma source(%dma_start3A_157 : memref<2000xf32, #tpu.memory_space<vmem_shared>>) target(%dma_start3A_156 : memref<2000xf32, #tpu.memory_space<hbm>>) target_semaphore(%run_scoped3A_155 : memref<!tpu.dma_semaphore, #tpu.memory_space<semaphore_mem>>)
        %dma_wait3A = tpu.memref_slice %arg8[%arg0, %run_scoped3A_145, %mul3A_144] : memref<2x4x100000xf32, #tpu.memory_space<hbm>> -> memref<1x1x2000xf32, #tpu.memory_space<hbm>>
        %dma_wait3A_158 = tpu.memref_squeeze %dma_wait3A : memref<1x1x2000xf32, #tpu.memory_space<hbm>> -> memref<2000xf32, #tpu.memory_space<hbm>>
        %dma_wait3A_159 = tpu.memref_slice %arg12[%mul3A_142] : memref<100000xf32, #tpu.memory_space<vmem_shared>> -> memref<2000xf32, #tpu.memory_space<vmem_shared>>
        tpu.wait_dma2 semaphore(%run_scoped3A_155 : memref<!tpu.dma_semaphore, #tpu.memory_space<semaphore_mem>>) src(%dma_wait3A_159 : memref<2000xf32, #tpu.memory_space<vmem_shared>>) dst(%dma_wait3A_158 : memref<2000xf32, #tpu.memory_space<hbm>>)
        tpu.yield
      }) : () -> ()
      %mul3A_146 = arith.constant 2000 : i32
      %mul3A_147 = arith.muli %add3A_125, %mul3A_146 : i32
      %mul3A_148 = arith.constant 2000 : i32
      %mul3A_149 = arith.muli %add3A_125, %mul3A_148 : i32
      %run_scoped3A_150 = arith.constant 3 : i32
      "tpu.region"() ({
        %run_scoped3A_155 = tpu.sem_alloc : memref<!tpu.dma_semaphore, #tpu.memory_space<semaphore_mem>>
        %dma_start3A = tpu.memref_slice %arg8[%arg0, %run_scoped3A_150, %mul3A_149] : memref<2x4x100000xf32, #tpu.memory_space<hbm>> -> memref<1x1x2000xf32, #tpu.memory_space<hbm>>
        %dma_start3A_156 = tpu.memref_squeeze %dma_start3A : memref<1x1x2000xf32, #tpu.memory_space<hbm>> -> memref<2000xf32, #tpu.memory_space<hbm>>
        %dma_start3A_157 = tpu.memref_slice %arg13[%mul3A_147] : memref<100000xf32, #tpu.memory_space<vmem_shared>> -> memref<2000xf32, #tpu.memory_space<vmem_shared>>
        tpu.enqueue_dma source(%dma_start3A_157 : memref<2000xf32, #tpu.memory_space<vmem_shared>>) target(%dma_start3A_156 : memref<2000xf32, #tpu.memory_space<hbm>>) target_semaphore(%run_scoped3A_155 : memref<!tpu.dma_semaphore, #tpu.memory_space<semaphore_mem>>)
        %dma_wait3A = tpu.memref_slice %arg8[%arg0, %run_scoped3A_150, %mul3A_149] : memref<2x4x100000xf32, #tpu.memory_space<hbm>> -> memref<1x1x2000xf32, #tpu.memory_space<hbm>>
        %dma_wait3A_158 = tpu.memref_squeeze %dma_wait3A : memref<1x1x2000xf32, #tpu.memory_space<hbm>> -> memref<2000xf32, #tpu.memory_space<hbm>>
        %dma_wait3A_159 = tpu.memref_slice %arg13[%mul3A_147] : memref<100000xf32, #tpu.memory_space<vmem_shared>> -> memref<2000xf32, #tpu.memory_space<vmem_shared>>
        tpu.wait_dma2 semaphore(%run_scoped3A_155 : memref<!tpu.dma_semaphore, #tpu.memory_space<semaphore_mem>>) src(%dma_wait3A_159 : memref<2000xf32, #tpu.memory_space<vmem_shared>>) dst(%dma_wait3A_158 : memref<2000xf32, #tpu.memory_space<hbm>>)
        tpu.yield
      }) : () -> ()
      %mul3A_151 = arith.constant 2000 : i32
      %mul3A_152 = arith.muli %add3A_125, %mul3A_151 : i32
      %mul3A_153 = arith.constant 2000 : i32
      %mul3A_154 = arith.muli %add3A_125, %mul3A_153 : i32
      "tpu.region"() ({
        %run_scoped3A_155 = tpu.sem_alloc : memref<!tpu.dma_semaphore, #tpu.memory_space<semaphore_mem>>
        %dma_start3A = tpu.memref_slice %arg9[%arg0, %mul3A_154] : memref<2x100000xf32, #tpu.memory_space<hbm>> -> memref<1x2000xf32, #tpu.memory_space<hbm>>
        %dma_start3A_156 = tpu.memref_squeeze %dma_start3A : memref<1x2000xf32, #tpu.memory_space<hbm>> -> memref<2000xf32, #tpu.memory_space<hbm>>
        %dma_start3A_157 = tpu.memref_slice %arg14[%mul3A_152] : memref<100000xf32, #tpu.memory_space<vmem_shared>> -> memref<2000xf32, #tpu.memory_space<vmem_shared>>
        tpu.enqueue_dma source(%dma_start3A_157 : memref<2000xf32, #tpu.memory_space<vmem_shared>>) target(%dma_start3A_156 : memref<2000xf32, #tpu.memory_space<hbm>>) target_semaphore(%run_scoped3A_155 : memref<!tpu.dma_semaphore, #tpu.memory_space<semaphore_mem>>)
        %dma_wait3A = tpu.memref_slice %arg9[%arg0, %mul3A_154] : memref<2x100000xf32, #tpu.memory_space<hbm>> -> memref<1x2000xf32, #tpu.memory_space<hbm>>
        %dma_wait3A_158 = tpu.memref_squeeze %dma_wait3A : memref<1x2000xf32, #tpu.memory_space<hbm>> -> memref<2000xf32, #tpu.memory_space<hbm>>
        %dma_wait3A_159 = tpu.memref_slice %arg14[%mul3A_152] : memref<100000xf32, #tpu.memory_space<vmem_shared>> -> memref<2000xf32, #tpu.memory_space<vmem_shared>>
        tpu.wait_dma2 semaphore(%run_scoped3A_155 : memref<!tpu.dma_semaphore, #tpu.memory_space<semaphore_mem>>) src(%dma_wait3A_159 : memref<2000xf32, #tpu.memory_space<vmem_shared>>) dst(%dma_wait3A_158 : memref<2000xf32, #tpu.memory_space<hbm>>)
        tpu.yield
      }) : () -> ()
    } else {
    }
    return
  }
}

module attributes {stable_mosaic.version = 14 : i64} {
  func.func @_tc_body(%arg0: i32, %arg1: memref<2x2000x4xf32, #tpu.memory_space<vmem>>, %arg2: memref<2x2000x1xf32, #tpu.memory_space<vmem>>, %arg3: memref<2000x4xf32, #tpu.memory_space<vmem>>, %arg4: memref<4x4xf32, #tpu.memory_space<vmem>>, %arg5: memref<4x12xf32, #tpu.memory_space<vmem>>, %arg6: memref<4x12xf32, #tpu.memory_space<vmem>>, %arg7: memref<1x12xf32, #tpu.memory_space<vmem>>, %arg8: memref<1x12xf32, #tpu.memory_space<vmem>>, %arg9: memref<4x128xf32, #tpu.memory_space<vmem>>, %arg10: memref<1x128xf32, #tpu.memory_space<vmem>>, %arg11: memref<32x1xf32, #tpu.memory_space<vmem>>, %arg12: memref<1x1xf32, #tpu.memory_space<vmem>>, %arg13: memref<2000x1xf32, #tpu.memory_space<vmem>>) attributes {dimension_semantics = [#tpu.dimension_semantics<arbitrary>], iteration_bounds = array<i64: 50>, scalar_prefetch = 0 : i64, scratch_operands = 0 : i64, tpu.core_type = #tpu.core_type<tc>, window_params = [{transform_indices = @transform_0, window_bounds = array<i64: 2, 2000, 4>}, {transform_indices = @transform_1, window_bounds = array<i64: 2, 2000, 1>}, {transform_indices = @transform_2, window_bounds = array<i64: 2000, 4>}, {pipeline_mode = #tpu.pipeline_mode<synchronous>, transform_indices = @transform_3, window_bounds = array<i64: 4, 4>}, {pipeline_mode = #tpu.pipeline_mode<synchronous>, transform_indices = @transform_4, window_bounds = array<i64: 4, 12>}, {pipeline_mode = #tpu.pipeline_mode<synchronous>, transform_indices = @transform_5, window_bounds = array<i64: 4, 12>}, {pipeline_mode = #tpu.pipeline_mode<synchronous>, transform_indices = @transform_6, window_bounds = array<i64: 1, 12>}, {pipeline_mode = #tpu.pipeline_mode<synchronous>, transform_indices = @transform_7, window_bounds = array<i64: 1, 12>}, {pipeline_mode = #tpu.pipeline_mode<synchronous>, transform_indices = @transform_8, window_bounds = array<i64: 4, 128>}, {pipeline_mode = #tpu.pipeline_mode<synchronous>, transform_indices = @transform_9, window_bounds = array<i64: 1, 128>}, {pipeline_mode = #tpu.pipeline_mode<synchronous>, transform_indices = @transform_10, window_bounds = array<i64: 32, 1>}, {pipeline_mode = #tpu.pipeline_mode<synchronous>, transform_indices = @transform_11, window_bounds = array<i64: 1, 1>}, {transform_indices = @transform_12, window_bounds = array<i64: 2000, 1>}]} {
    %get3A = arith.constant 0 : index
    %get3A_0 = arith.constant 0 : index
    %get3A_1 = arith.constant 0 : index
    %get3A_2 = vector.load %arg1[%get3A, %get3A_0, %get3A_1] : memref<2x2000x4xf32, #tpu.memory_space<vmem>>, vector<1x2000x4xf32>
    %get3A_3 = vector.shape_cast %get3A_2 : vector<1x2000x4xf32> to vector<2000x4xf32>
    %get3A_4 = arith.constant 1 : index
    %get3A_5 = arith.constant 0 : index
    %get3A_6 = arith.constant 0 : index
    %get3A_7 = vector.load %arg1[%get3A_4, %get3A_5, %get3A_6] : memref<2x2000x4xf32, #tpu.memory_space<vmem>>, vector<1x2000x4xf32>
    %get3A_8 = vector.shape_cast %get3A_7 : vector<1x2000x4xf32> to vector<2000x4xf32>
    %add3A = arith.addf %get3A_3, %get3A_8 : vector<2000x4xf32>
    %get3A_9 = arith.constant 0 : index
    %get3A_10 = arith.constant 0 : index
    %get3A_11 = arith.constant 0 : index
    %get3A_12 = vector.load %arg2[%get3A_9, %get3A_10, %get3A_11] : memref<2x2000x1xf32, #tpu.memory_space<vmem>>, vector<1x2000x1xf32>
    %get3A_13 = vector.shape_cast %get3A_12 : vector<1x2000x1xf32> to vector<2000x1xf32>
    %get3A_14 = arith.constant 1 : index
    %get3A_15 = arith.constant 0 : index
    %get3A_16 = arith.constant 0 : index
    %get3A_17 = vector.load %arg2[%get3A_14, %get3A_15, %get3A_16] : memref<2x2000x1xf32, #tpu.memory_space<vmem>>, vector<1x2000x1xf32>
    %get3A_18 = vector.shape_cast %get3A_17 : vector<1x2000x1xf32> to vector<2000x1xf32>
    %add3A_19 = arith.addf %get3A_13, %get3A_18 : vector<2000x1xf32>
    %max3A = arith.constant 1.000000e+00 : f32
    %max3A_20 = vector.broadcast %max3A : f32 to vector<2000x1xf32>
    %max3A_21 = arith.maximumf %add3A_19, %max3A_20 : vector<2000x1xf32>
    %div3A = vector.broadcast %max3A_21 : vector<2000x1xf32> to vector<2000x4xf32>
    %div3A_22 = arith.divf %add3A, %div3A : vector<2000x4xf32>
    %get3A_23 = arith.constant 0 : index
    %get3A_24 = arith.constant 0 : index
    %get3A_25 = vector.load %arg4[%get3A_23, %get3A_24] : memref<4x4xf32, #tpu.memory_space<vmem>>, vector<4x4xf32>
    %dot_general3A = arith.constant dense<0.000000e+00> : vector<2000x4xf32>
    %dot_general3A_26 = tpu.matmul %div3A_22, %get3A_25, %dot_general3A {dimension_numbers = #tpu.dot_dimension_numbers<[1], [0], [0], [1], [0, 0, 1, 1], [], []>, transpose_lhs_hint = false} : vector<2000x4xf32>, vector<4x4xf32>, vector<2000x4xf32> -> vector<2000x4xf32>
    %get3A_27 = arith.constant 0 : index
    %get3A_28 = arith.constant 0 : index
    %get3A_29 = vector.load %arg3[%get3A_27, %get3A_28] : memref<2000x4xf32, #tpu.memory_space<vmem>>, vector<2000x4xf32>
    %get3A_30 = arith.constant 0 : index
    %get3A_31 = arith.constant 0 : index
    %get3A_32 = vector.load %arg5[%get3A_30, %get3A_31] : memref<4x12xf32, #tpu.memory_space<vmem>>, vector<4x12xf32>
    %dot_general3A_33 = arith.constant dense<0.000000e+00> : vector<2000x12xf32>
    %dot_general3A_34 = tpu.matmul %dot_general3A_26, %get3A_32, %dot_general3A_33 {dimension_numbers = #tpu.dot_dimension_numbers<[1], [0], [0], [1], [0, 0, 1, 1], [], []>, transpose_lhs_hint = false} : vector<2000x4xf32>, vector<4x12xf32>, vector<2000x12xf32> -> vector<2000x12xf32>
    %get3A_35 = arith.constant 0 : index
    %get3A_36 = arith.constant 0 : index
    %get3A_37 = vector.load %arg7[%get3A_35, %get3A_36] : memref<1x12xf32, #tpu.memory_space<vmem>>, vector<1x12xf32>
    %add3A_38 = vector.broadcast %get3A_37 : vector<1x12xf32> to vector<2000x12xf32>
    %add3A_39 = arith.addf %dot_general3A_34, %add3A_38 : vector<2000x12xf32>
    %get3A_40 = arith.constant 0 : index
    %get3A_41 = arith.constant 0 : index
    %get3A_42 = vector.load %arg6[%get3A_40, %get3A_41] : memref<4x12xf32, #tpu.memory_space<vmem>>, vector<4x12xf32>
    %dot_general3A_43 = arith.constant dense<0.000000e+00> : vector<2000x12xf32>
    %dot_general3A_44 = tpu.matmul %get3A_29, %get3A_42, %dot_general3A_43 {dimension_numbers = #tpu.dot_dimension_numbers<[1], [0], [0], [1], [0, 0, 1, 1], [], []>, transpose_lhs_hint = false} : vector<2000x4xf32>, vector<4x12xf32>, vector<2000x12xf32> -> vector<2000x12xf32>
    %get3A_45 = arith.constant 0 : index
    %get3A_46 = arith.constant 0 : index
    %get3A_47 = vector.load %arg8[%get3A_45, %get3A_46] : memref<1x12xf32, #tpu.memory_space<vmem>>, vector<1x12xf32>
    %add3A_48 = vector.broadcast %get3A_47 : vector<1x12xf32> to vector<2000x12xf32>
    %add3A_49 = arith.addf %dot_general3A_44, %add3A_48 : vector<2000x12xf32>
    %slice3A = vector.extract_strided_slice %add3A_39 {offsets = [0, 0], sizes = [2000, 4], strides = [1, 1]} : vector<2000x12xf32> to vector<2000x4xf32>
    %slice3A_50 = vector.extract_strided_slice %add3A_49 {offsets = [0, 0], sizes = [2000, 4], strides = [1, 1]} : vector<2000x12xf32> to vector<2000x4xf32>
    %add3A_51 = arith.addf %slice3A, %slice3A_50 : vector<2000x4xf32>
    %logistic3A = arith.negf %add3A_51 : vector<2000x4xf32>
    %logistic3A_52 = math.exp %logistic3A : vector<2000x4xf32>
    %logistic3A_53 = arith.constant 1.000000e+00 : f32
    %logistic3A_54 = vector.broadcast %logistic3A_53 : f32 to vector<2000x4xf32>
    %logistic3A_55 = arith.addf %logistic3A_54, %logistic3A_52 : vector<2000x4xf32>
    %logistic3A_56 = arith.divf %logistic3A_54, %logistic3A_55 : vector<2000x4xf32>
    %slice3A_57 = vector.extract_strided_slice %add3A_39 {offsets = [0, 4], sizes = [2000, 4], strides = [1, 1]} : vector<2000x12xf32> to vector<2000x4xf32>
    %slice3A_58 = vector.extract_strided_slice %add3A_49 {offsets = [0, 4], sizes = [2000, 4], strides = [1, 1]} : vector<2000x12xf32> to vector<2000x4xf32>
    %add3A_59 = arith.addf %slice3A_57, %slice3A_58 : vector<2000x4xf32>
    %logistic3A_60 = arith.negf %add3A_59 : vector<2000x4xf32>
    %logistic3A_61 = math.exp %logistic3A_60 : vector<2000x4xf32>
    %logistic3A_62 = arith.constant 1.000000e+00 : f32
    %logistic3A_63 = vector.broadcast %logistic3A_62 : f32 to vector<2000x4xf32>
    %logistic3A_64 = arith.addf %logistic3A_63, %logistic3A_61 : vector<2000x4xf32>
    %logistic3A_65 = arith.divf %logistic3A_63, %logistic3A_64 : vector<2000x4xf32>
    %slice3A_66 = vector.extract_strided_slice %add3A_39 {offsets = [0, 8], sizes = [2000, 4], strides = [1, 1]} : vector<2000x12xf32> to vector<2000x4xf32>
    %slice3A_67 = vector.extract_strided_slice %add3A_49 {offsets = [0, 8], sizes = [2000, 4], strides = [1, 1]} : vector<2000x12xf32> to vector<2000x4xf32>
    %mul3A = arith.mulf %logistic3A_56, %slice3A_67 : vector<2000x4xf32>
    %add3A_68 = arith.addf %slice3A_66, %mul3A : vector<2000x4xf32>
    %tanh3A = math.tanh %add3A_68 : vector<2000x4xf32>
    %sub3A = arith.constant 1.000000e+00 : f32
    %sub3A_69 = vector.broadcast %sub3A : f32 to vector<2000x4xf32>
    %sub3A_70 = arith.subf %sub3A_69, %logistic3A_65 : vector<2000x4xf32>
    %mul3A_71 = arith.mulf %sub3A_70, %tanh3A : vector<2000x4xf32>
    %mul3A_72 = arith.mulf %logistic3A_65, %get3A_29 : vector<2000x4xf32>
    %add3A_73 = arith.addf %mul3A_71, %mul3A_72 : vector<2000x4xf32>
    %get3A_74 = arith.constant 0 : index
    %get3A_75 = arith.constant 0 : index
    %get3A_76 = vector.load %arg9[%get3A_74, %get3A_75] : memref<4x128xf32, #tpu.memory_space<vmem>>, vector<4x128xf32>
    %dot_general3A_77 = arith.constant dense<0.000000e+00> : vector<2000x128xf32>
    %dot_general3A_78 = tpu.matmul %add3A_73, %get3A_76, %dot_general3A_77 {dimension_numbers = #tpu.dot_dimension_numbers<[1], [0], [0], [1], [0, 0, 1, 1], [], []>, transpose_lhs_hint = false} : vector<2000x4xf32>, vector<4x128xf32>, vector<2000x128xf32> -> vector<2000x128xf32>
    %get3A_79 = arith.constant 0 : index
    %get3A_80 = arith.constant 0 : index
    %get3A_81 = vector.load %arg10[%get3A_79, %get3A_80] : memref<1x128xf32, #tpu.memory_space<vmem>>, vector<1x128xf32>
    %add3A_82 = vector.broadcast %get3A_81 : vector<1x128xf32> to vector<2000x128xf32>
    %add3A_83 = arith.addf %dot_general3A_78, %add3A_82 : vector<2000x128xf32>
    %slice3A_84 = vector.extract_strided_slice %add3A_83 {offsets = [0, 0], sizes = [2000, 32], strides = [1, 1]} : vector<2000x128xf32> to vector<2000x32xf32>
    %logistic3A_85 = arith.negf %slice3A_84 : vector<2000x32xf32>
    %logistic3A_86 = math.exp %logistic3A_85 : vector<2000x32xf32>
    %logistic3A_87 = arith.constant 1.000000e+00 : f32
    %logistic3A_88 = vector.broadcast %logistic3A_87 : f32 to vector<2000x32xf32>
    %logistic3A_89 = arith.addf %logistic3A_88, %logistic3A_86 : vector<2000x32xf32>
    %logistic3A_90 = arith.divf %logistic3A_88, %logistic3A_89 : vector<2000x32xf32>
    %slice3A_91 = vector.extract_strided_slice %add3A_83 {offsets = [0, 64], sizes = [2000, 32], strides = [1, 1]} : vector<2000x128xf32> to vector<2000x32xf32>
    %tanh3A_92 = math.tanh %slice3A_91 : vector<2000x32xf32>
    %slice3A_93 = vector.extract_strided_slice %add3A_83 {offsets = [0, 96], sizes = [2000, 32], strides = [1, 1]} : vector<2000x128xf32> to vector<2000x32xf32>
    %logistic3A_94 = arith.negf %slice3A_93 : vector<2000x32xf32>
    %logistic3A_95 = math.exp %logistic3A_94 : vector<2000x32xf32>
    %logistic3A_96 = arith.constant 1.000000e+00 : f32
    %logistic3A_97 = vector.broadcast %logistic3A_96 : f32 to vector<2000x32xf32>
    %logistic3A_98 = arith.addf %logistic3A_97, %logistic3A_95 : vector<2000x32xf32>
    %logistic3A_99 = arith.divf %logistic3A_97, %logistic3A_98 : vector<2000x32xf32>
    %mul3A_100 = arith.mulf %logistic3A_90, %tanh3A_92 : vector<2000x32xf32>
    %tanh3A_101 = math.tanh %mul3A_100 : vector<2000x32xf32>
    %mul3A_102 = arith.mulf %logistic3A_99, %tanh3A_101 : vector<2000x32xf32>
    %max3A_103 = arith.constant 0.000000e+00 : f32
    %max3A_104 = vector.broadcast %max3A_103 : f32 to vector<2000x32xf32>
    %max3A_105 = arith.maximumf %mul3A_102, %max3A_104 : vector<2000x32xf32>
    %get3A_106 = arith.constant 0 : index
    %get3A_107 = arith.constant 0 : index
    %get3A_108 = vector.load %arg11[%get3A_106, %get3A_107] : memref<32x1xf32, #tpu.memory_space<vmem>>, vector<32x1xf32>
    %dot_general3A_109 = arith.constant dense<0.000000e+00> : vector<2000x1xf32>
    %dot_general3A_110 = tpu.matmul %max3A_105, %get3A_108, %dot_general3A_109 {dimension_numbers = #tpu.dot_dimension_numbers<[1], [0], [0], [1], [0, 0, 1, 1], [], []>, transpose_lhs_hint = false} : vector<2000x32xf32>, vector<32x1xf32>, vector<2000x1xf32> -> vector<2000x1xf32>
    %get3A_111 = arith.constant 0 : index
    %get3A_112 = arith.constant 0 : index
    %get3A_113 = vector.load %arg12[%get3A_111, %get3A_112] : memref<1x1xf32, #tpu.memory_space<vmem>>, vector<1x1xf32>
    %add3A_114 = vector.broadcast %get3A_113 : vector<1x1xf32> to vector<2000x1xf32>
    %add3A_115 = arith.addf %dot_general3A_110, %add3A_114 : vector<2000x1xf32>
    %swap3A = arith.constant 0 : index
    %swap3A_116 = arith.constant 0 : index
    %swap3A_117 = vector.load %arg13[%swap3A, %swap3A_116] : memref<2000x1xf32, #tpu.memory_space<vmem>>, vector<2000x1xf32>
    tpu.vector_store %arg13[%swap3A, %swap3A_116], %add3A_115 {strides = array<i32>} : memref<2000x1xf32, #tpu.memory_space<vmem>>, vector<2000x1xf32>,
    return
  }
  func.func @transform_0(%arg0: i32) -> (i32, i32, i32) {
    %c0_i32 = arith.constant 0 : i32
    %c0_i32_0 = arith.constant 0 : i32
    %c0_i32_1 = arith.constant 0 : i32
    return %c0_i32, %arg0, %c0_i32_0 : i32, i32, i32
  }
  func.func @transform_1(%arg0: i32) -> (i32, i32, i32) {
    %c0_i32 = arith.constant 0 : i32
    %c0_i32_0 = arith.constant 0 : i32
    %c0_i32_1 = arith.constant 0 : i32
    return %c0_i32, %arg0, %c0_i32_0 : i32, i32, i32
  }
  func.func @transform_2(%arg0: i32) -> (i32, i32) {
    %c0_i32 = arith.constant 0 : i32
    %c0_i32_0 = arith.constant 0 : i32
    return %arg0, %c0_i32 : i32, i32
  }
  func.func @transform_3(%arg0: i32) -> (i32, i32) {
    %c0_i32 = arith.constant 0 : i32
    %c0_i32_0 = arith.constant 0 : i32
    %c0_i32_1 = arith.constant 0 : i32
    return %c0_i32, %c0_i32_0 : i32, i32
  }
  func.func @transform_4(%arg0: i32) -> (i32, i32) {
    %c0_i32 = arith.constant 0 : i32
    %c0_i32_0 = arith.constant 0 : i32
    %c0_i32_1 = arith.constant 0 : i32
    return %c0_i32, %c0_i32_0 : i32, i32
  }
  func.func @transform_5(%arg0: i32) -> (i32, i32) {
    %c0_i32 = arith.constant 0 : i32
    %c0_i32_0 = arith.constant 0 : i32
    %c0_i32_1 = arith.constant 0 : i32
    return %c0_i32, %c0_i32_0 : i32, i32
  }
  func.func @transform_6(%arg0: i32) -> (i32, i32) {
    %c0_i32 = arith.constant 0 : i32
    %c0_i32_0 = arith.constant 0 : i32
    %c0_i32_1 = arith.constant 0 : i32
    return %c0_i32, %c0_i32_0 : i32, i32
  }
  func.func @transform_7(%arg0: i32) -> (i32, i32) {
    %c0_i32 = arith.constant 0 : i32
    %c0_i32_0 = arith.constant 0 : i32
    %c0_i32_1 = arith.constant 0 : i32
    return %c0_i32, %c0_i32_0 : i32, i32
  }
  func.func @transform_8(%arg0: i32) -> (i32, i32) {
    %c0_i32 = arith.constant 0 : i32
    %c0_i32_0 = arith.constant 0 : i32
    %c0_i32_1 = arith.constant 0 : i32
    return %c0_i32, %c0_i32_0 : i32, i32
  }
  func.func @transform_9(%arg0: i32) -> (i32, i32) {
    %c0_i32 = arith.constant 0 : i32
    %c0_i32_0 = arith.constant 0 : i32
    %c0_i32_1 = arith.constant 0 : i32
    return %c0_i32, %c0_i32_0 : i32, i32
  }
  func.func @transform_10(%arg0: i32) -> (i32, i32) {
    %c0_i32 = arith.constant 0 : i32
    %c0_i32_0 = arith.constant 0 : i32
    %c0_i32_1 = arith.constant 0 : i32
    return %c0_i32, %c0_i32_0 : i32, i32
  }
  func.func @transform_11(%arg0: i32) -> (i32, i32) {
    %c0_i32 = arith.constant 0 : i32
    %c0_i32_0 = arith.constant 0 : i32
    %c0_i32_1 = arith.constant 0 : i32
    return %c0_i32, %c0_i32_0 : i32, i32
  }
  func.func @transform_12(%arg0: i32) -> (i32, i32) {
    %c0_i32 = arith.constant 0 : i32
    %c0_i32_0 = arith.constant 0 : i32
    return %arg0, %c0_i32 : i32, i32
  }
}

</mosaic_0001>

<sc_bundles>
// kernel: kernel.4.cloned.1.call-start
scs
__scs_entry_jumppad:
0x0: {  	(pc) =	sbr.rel $0x88, $3  }
0x1: {  	(tag) =	ssettag $0x0;
	lr =	simm.s32 $0x1  }
0x2: {  	[smem:$0x3F94] =	sst lr;
	_ =	strace $0xD0000000  }
0x3: {  	_ = 	snop  }
0x4: {  	_ = 	snop  }
0x5: {  	_ = 	snop  }
0x6: {  	_ = 	snop  }
0x7: {  	_ = 	snop  }
__scs_overlays_trampoline_lowered:
0x8: {  	[smem:$0x3FA3] =	sst s0  }
0x9: {  	[smem:$0x3FA4] =	sst s1  }
0xa: {  	[smem:$0x3FA5] =	sst s2  }
0xb: {  	[smem:$0x3FA6] =	sst s3  }
0xc: {  	[smem:$0x3FA7] =	sst s4  }
0xd: {  	[smem:$0x3FA8] =	sst s5  }
0xe: {  	[smem:$0x3FA9] =	sst s6  }
0xf: {  	[smem:$0x3FAA] =	sst s7  }
0x10: {  	[smem:$0x3FAB] =	sst s8  }
0x11: {  	[smem:$0x3FAC] =	sst s9;
	s0 =	simm.s32 @!p0 $0x0  }
0x12: {  	s1 =	sld [smem:$0x3F92];
	s0 =	simm.s32 @p0 $0x1  }
0x13: {  	[smem:$0x3FAD] =	sst s0;
	s0 =	simm.s32 @!p1 $0x0  }
0x14: {  	s2 =	sld [smem:$0x3F91];
	s0 =	simm.s32 @p1 $0x1  }
0x15: {  	[smem:$0x3FAE] =	sst s0;
	s0 =	simm.s32 @!p2 $0x0  }
0x16: {  	s3 =	sld [smem:$0x3FDB];
	s0 =	simm.s32 @p2 $0x1  }
0x17: {  	s4 =	simm.s32 $0x1BF5;
	[smem:$0x3FB0] =	sst s0  }
0x18: {  	s0 =	sld [smem:$0x3F93];
	_ =	swait.ge [sflag:s4], $0x0  }
0x19: {  	s7 =	sld [smem:$0x3F94]  }
0x1a: {  	s8 =	sadd.s32 $0xFFFFE003, lr  }
0x1b: {  	s9 =	sadd.s32 $0xFFFFFEF7, lr;
	s5 =	simm.s32 $0xFFFFFFFF;
	p2 =	slt.u32 s8, $0xFFFFF086  }
0x1c: {  	p1 =	slt.u32 s9, $0xF7A;
	s5 =	simm.s32 @!p2 $0x0  }
0x1d: {  	s5 =	simm.s32 @p1 $0x1;
	p0 =	seq.s32 s7, s2  }
0x1e: {  	s7 =	smul.u32 @!p0 $0xF7A, s2;
	p2 =	seq.s32 @!p0 s5, $0x0  }
0x1f: {  	s9 =	smul.u32 $0xF7A, s1;
	s8 =	simm.s32 @!p0 $0x1BF5;
	p2 =	por !p2, p0  }
0x20: {  	[sflag:s8] =	ssyncset.s32 @!p0 $0xFFFFF086;
	s6 =	sadd.s32 @!p0 s3, s7;
	s7 =	simm.s32 @!p0 $0x108  }
0x21: {  	s3 =	sadd.s32 s3, s9;
	s6 =	sadd.s32 @!p0 $0x88, s6;
	s7 =	simm.s32 @p2 $0x1082  }
0x22: {  	[simem:s7], [sflag:s8] =	dma.local @!p0 [hbm:s6], $0xF7A  }
0x23: {  	s9 =	sor.u32 $0xD0000000, s2;
	s6 =	simm.s32 $0x108;
	_ =	swait.ge @!p0 [sflag:s8], $0x0  }
0x24: {  	s3 =	sadd.s32 $0x88, s3;
	s6 =	simm.s32 @!p1 $0x1082;
	[sflag:s4] =	ssyncset.s32 $0xFFFFF086  }
0x25: {  	[simem:s6], [sflag:s4] =	dma.local [hbm:s3], $0xF7A  }
0x26: {  	[smem:$0x3F94] =	sst s1;
	(tag) =	ssettag s2;
	_ =	strace s9  }
0x27: {  	s1 =	sld [smem:$0x3FA4]  }
0x28: {  	s2 =	sld [smem:$0x3FA5]  }
0x29: {  	s4 =	sld [smem:$0x3FA7]  }
0x2a: {  	p0 =	seq.s32 s5, $0x0;
	s5 =	sld [smem:$0x3FA8]  }
0x2b: {  	s6 =	sld [smem:$0x3FA9]  }
0x2c: {  	s7 =	sld [smem:$0x3FAA]  }
0x2d: {  	s3 =	simm.s32 $0x108;
	s8 =	sld [smem:$0x3FAB]  }
0x2e: {  	s3 =	simm.s32 @!p0 $0x1082;
	s9 =	sld [smem:$0x3FAC]  }
0x2f: {  	lr =	sadd.s32 s0, s3;
	s0 =	sld [smem:$0x3FA3]  }
0x30: {  	s3 =	sld [smem:$0x3FA6]  }
0x31: {  	[smem:$0x3FAF] =	sst s10  }
0x32: {  	s10 =	sld [smem:$0x3FAD];
	_ =	sdelay $0x3  }
0x33: {  	p0 =	seq.s32 s10, $0x1;
	s10 =	sld [smem:$0x3FAF];
	_ =	sdelay $0x3  }
0x34: {  	[smem:$0x3FAF] =	sst s10  }
0x35: {  	s10 =	sld [smem:$0x3FAE];
	_ =	sdelay $0x3  }
0x36: {  	p1 =	seq.s32 s10, $0x1;
	s10 =	sld [smem:$0x3FAF];
	_ =	sdelay $0x3  }
0x37: {  	[smem:$0x3FAF] =	sst s10  }
0x38: {  	s10 =	sld [smem:$0x3FB0]  }
0x39: {  	_ = 	snop;
	(pc) =	sbr.ind lr, $3  }
0x3a: {  	_ = 	snop  }
0x3b: {  	_ = 	snop  }
0x3c: {  	p2 =	seq.s32 s10, $0x1;
	s10 =	sld [smem:$0x3FAF]  }
0x3d: {  	_ =	shalt  }
0x3e: {  	_ =	shalt  }
0x3f: {  	_ =	shalt  }
0x40: {  	_ =	shalt  }
0x41: {  	_ =	shalt  }
0x42: {  	_ =	shalt  }
0x43: {  	_ =	shalt  }
0x44: {  	_ =	shalt  }
0x45: {  	_ =	shalt  }
0x46: {  	_ =	shalt  }
0x47: {  	_ =	shalt  }
0x48: {  	_ =	shalt  }
0x49: {  	_ =	shalt  }
0x4a: {  	_ =	shalt  }
0x4b: {  	_ =	shalt  }
0x4c: {  	_ =	shalt  }
0x4d: {  	_ =	shalt  }
0x4e: {  	_ =	shalt  }
0x4f: {  	_ =	shalt  }
0x50: {  	_ =	shalt  }
0x51: {  	_ =	shalt  }
0x52: {  	_ =	shalt  }
0x53: {  	_ =	shalt  }
0x54: {  	_ =	shalt  }
0x55: {  	_ =	shalt  }
0x56: {  	_ =	shalt  }
0x57: {  	_ =	shalt  }
0x58: {  	_ =	shalt  }
0x59: {  	_ =	shalt  }
0x5a: {  	_ =	shalt  }
0x5b: {  	_ =	shalt  }
0x5c: {  	_ =	shalt  }
0x5d: {  	_ =	shalt  }
0x5e: {  	_ =	shalt  }
0x5f: {  	_ =	shalt  }
0x60: {  	_ =	shalt  }
0x61: {  	_ =	shalt  }
0x62: {  	_ =	shalt  }
0x63: {  	_ =	shalt  }
0x64: {  	_ =	shalt  }
0x65: {  	_ =	shalt  }
0x66: {  	_ =	shalt  }
0x67: {  	_ =	shalt  }
0x68: {  	_ =	shalt  }
0x69: {  	_ =	shalt  }
0x6a: {  	_ =	shalt  }
0x6b: {  	_ =	shalt  }
0x6c: {  	_ =	shalt  }
0x6d: {  	_ =	shalt  }
0x6e: {  	_ =	shalt  }
0x6f: {  	_ =	shalt  }
0x70: {  	_ =	shalt  }
0x71: {  	_ =	shalt  }
0x72: {  	_ =	shalt  }
0x73: {  	_ =	shalt  }
0x74: {  	_ =	shalt  }
0x75: {  	_ =	shalt  }
0x76: {  	_ =	shalt  }
0x77: {  	_ =	shalt  }
0x78: {  	_ =	shalt  }
0x79: {  	_ =	shalt  }
0x7a: {  	_ =	shalt  }
0x7b: {  	_ =	shalt  }
0x7c: {  	_ =	shalt  }
0x7d: {  	_ =	shalt  }
0x7e: {  	_ =	shalt  }
0x7f: {  	_ =	shalt  }
0x80: {  	_ =	shalt  }
0x81: {  	_ =	shalt  }
0x82: {  	_ =	shalt  }
0x83: {  	_ =	shalt  }
0x84: {  	_ =	shalt  }
0x85: {  	_ =	shalt  }
0x86: {  	_ =	shalt  }
0x87: {  	_ =	shalt  }
.Lfunc_end0:
.L_simem_size_0:
called_computation_lowered:
.L_overlay_start_0:
0x88: {  	s2 =	sld [smem:$0x3FD9]  }
0x89: {  	s3 =	sld [smem:$0x3FFE];
	_ =	sdelay $0x1  }
0x8a: {  	s1 =	srdreg.scid  }
0x8b: {  	s0 =	sand.u32 $0x1, s1  }
0x8c: {  	s17 =	sshll.u32 s0, $0xA;
	s2 =	sadd.s32 s3, s2  }
0x8d: {  	s2 =	sadd.s32 s2, s17  }
0x8e: {  	[smem:$0x3FBB] =	sst s2  }
0x8f: {  	_ = 	snop  }
0x90: {  	s2 =	sld [smem:$0x3FD0];
	(tm) =	ssettm $0x1  }
0x91: {  	s18 =	sld [smem:$0x3FFB];
	_ =	sdelay $0x3  }
0x92: {  	_ =	strace s18  }
0x93: {  	s3 =	sld [smem:$0x3FFC];
	_ =	sdelay $0x3  }
0x94: {  	_ =	strace s3  }
0x95: {  	s3 =	sld [smem:$0x3FFD];
	_ =	sdelay $0x3  }
0x96: {  	_ =	strace s3  }
0x97: {  	_ =	strace $0x8FFFFFFF  }
0x98: {  	s19 =	sld [smem:$0x3FDB];
	_ =	sdelay $0x1  }
0x99: {  	s4 =	simm.s32 $_scs_section_size  }
0x9a: {  	s5 =	simm.s32 $_size__tile_overlayer_lowered;
	s6 =	simm.s32 $_tile_overlayer_lowered  }
0x9b: {  	s22 =	simm.s32 $0x1BFF;
	s21 =	sshll.u32 s6, $0x1;
	s3 =	sadd.s32 s4, s19  }
0x9c: {  	s7 =	simm.s32 $0x0;
	s20 =	sshll.u32 s5, $0x1;
	s5 =	sadd.s32 s21, s3  }
0x9d: {  	[timem:s7], [sflag:s22] =	dma.local [hbm:s5], s20  }
0x9e: {  	_ =	swait.ge [sflag:s22], s20  }
0x9f: {  	s4 =	ssub.s32 $0x0, s20;
	[sflag:s22] =	ssyncset.done $0x0  }
0xa0: {  	[sflag:s22] =	ssyncadd.s32 s4;
	_ =	sdelay $0x1  }
0xa1: {  	s23 =	simm.s32 $0x1B8B  }
0xa2: {  	_ =	swait.ge [sflag:s23], $0x1  }
0xa3: {  	[sflag:s23] =	ssyncset.done $0x0  }
0xa4: {  	s25 =	simm.s32 $0x1B8E;
	s24 =	sld [smem:$0x3FFE];
	[sflag:s23] =	ssyncadd.s32 $0xFFFFFFFF  }
0xa5: {  	s26 =	simm.s32 $execute0_lowered;
	[smem:$0x3FD2] =	sst s25  }
0xa6: {  	s5 =	sshll.u32 s26, $0x1;
	_ =	strace $0x80000046;
	[dreg:$0x1] =	wrdreg $0xFFFFFFFF  }
0xa7: {  	s28 =	simm.s32 $_size_execute0_lowered;
	s3 =	sadd.s32 s3, s5;
	[dreg:$0x0] =	wrdreg $0x0  }
0xa8: {  	s5 =	sshll.u32 s28, $0x1;
	[dreg:$0x2] =	wrdreg s3  }
0xa9: {  	[dreg:$0x3] =	wrdreg s5  }
0xaa: {  	[dreg:$0x4] =	wrdreg $0xC0  }
0xab: {  	_ =	task [dreg:s7], $0x5FFFF  }
0xac: {  	[dreg:$0x1] =	wrdreg $0xFFFFFFFF  }
0xad: {  	[dreg:$0x0] =	wrdreg $0x60  }
0xae: {  	[dreg:$0x2] =	wrdreg s24  }
0xaf: {  	[dreg:$0x3] =	wrdreg s2  }
0xb0: {  	[dreg:$0x4] =	wrdreg $0x0  }
0xb1: {  	[dreg:$0x5] =	wrdreg $0x18700  }
0xb2: {  	[dreg:$0x6] =	wrdreg $0x30E00  }
0xb3: {  	[dreg:$0x7] =	wrdreg $0x49500  }
0xb4: {  	[dreg:$0x8] =	wrdreg $0x61C00  }
0xb5: {  	[dreg:$0x9] =	wrdreg $0x9  }
0xb6: {  	_ =	task.clear_ibuf [dreg:s7], $0xAFFFF;
	_ =	strace $0x90000046  }
0xb7: {  	s29 =	simm.s32 $0x9;
	_ =	strace $0x80000048  }
0xb8: {  	_ =	swait.ge [sflag:s29], $0x1  }
0xb9: {  	[sflag:s29] =	ssyncadd.s32 $0xFFFFFFFF  }
0xba: {  	_ =	strace $0x90000048  }
0xbb: {  	_ =	sfence  }
0xbc: {  	s30 =	sld [smem:$0x0];
	_ =	sdelay $0x2  }
0xbd: {  	s31 =	sshll.u32 s1, $0xD;
	s1 =	sshrl.u32 s1, $0x2  }
0xbe: {  	s3 =	sand.u32 $0x4000, s31;
	s1 =	sadd.s32 s1, s30  }
0xbf: {  	s0 =	sor.u32 s3, s0;
	s1 =	sshll.u32 s1, $0x11  }
0xc0: {  	s0 =	sor.u32 s1, s0  }
0xc1: {  	s0 =	sadd.s32 $0x8F2B, s0  }
0xc2: {  	[sflag:s0] =	ssyncadd.remote.s32 $0x1  }
0xc3: {  	_ =	sfence.sel $0xFFFF  }
0xc4: {  	[dreg:$0x0] =	wrdreg $0xFFFFFFFF;
	(pc) =	sbr.abs _section_cstart, $3  }
0xc5: {  	[dreg:$0x1] =	wrdreg $0xFFFFFFFF  }
0xc6: {  	_ =	task.clear_ibuf [dreg:s7], $0x2FFFF;
	_ =	strace $0x9FFFFFFF  }
0xc7: {  	(tm) =	ssettm $0x7FFFFFFF  }
tec
execute0_lowered:
.L_overlay_start_1:
0x0: {  	(tag) =	ssettag $0x1  }
0x1: {  	s0 =	rddreg [dreg:$0x0]  }
0x2: {  	s3 =	rddreg [dreg:$0x2]  }
0x3: {  	s4 =	rddreg [dreg:$0x3]  }
0x4: {  	s5 =	rddreg [dreg:$0x4]  }
0x5: {  	s24 =	rddreg [dreg:$0x5]  }
0x6: {  	s23 =	rddreg [dreg:$0x6];
	s25 =	simm.s32 $0x0;
	s1 =	srdreg.scid  }
0x7: {  	s26 =	stileid.u32;
	[smem:$0x7FF] =	sst s25;
	s1 =	sand.u32 $0x1, s1  }
0x8: {  	s2 =	sadd.s32 $0x3D4000, s0;
	s8 =	smul.u32 $0x7D0, s26;
	s10 =	sadd.s32 $0x3EC800, s0  }
0x9: {  	_ =	strace $0x80000047;
	s7 =	ssub.s32 $0x2, s1;
	s12 =	smul.u32 $0x61A80, s1  }
0xa: {  	s13 =	smul.u32 $0x186A0, s1;
	s11 =	sshrl.u32 s7, $0x1;
	s14 =	sadd.s32 $0xFA00, s8  }
0xb: {  	s15 =	sadd.s32 $0x17700, s8;
	s7 =	ssub.s32 s7, s11;
	s11 =	sadd.s32 $0x7D00, s8  }
0xc: {  	s16 =	sadd.s32 s8, s12;
	s17 =	sadd.s32 s8, s13;
	s20 =	sadd.s32 s13, s14  }
0xd: {  	s16 =	sshrl.u32 s16, $0x3;
	s18 =	sadd.s32 s12, s11;
	s21 =	sshrl.u32 s17, $0x3  }
0xe: {  	s19 =	sadd.s32 s13, s11;
	s28 =	sadd.s32 s2, s16;
	s6 =	sadd.s32 s10, s21  }
0xf: {  	s21 =	sadd.s32 s13, s15;
	s13 =	sadd.s32 s8, s3;
	[dreg:$0xa] =	wrdreg s6  }
0x10: {  	s22 =	sshrl.u32 s18, $0x3;
	s17 =	sshrl.u32 s19, $0x3;
	[dreg:$0x11] =	wrdreg s13  }
0x11: {  	s29 =	sadd.s32 s2, s22;
	s22 =	sadd.s32 s10, s17;
	[dreg:$0x9] =	wrdreg s28  }
0x12: {  	s9 =	sadd.s32 $0x310000, s0;
	s17 =	sadd.s32 s8, s4;
	[dreg:$0xe] =	wrdreg s22  }
0x13: {  	p0 =	sgt.u32 s26, $0x1;
	s6 =	sadd.s32 s8, s24;
	[dreg:$0x12] =	wrdreg s17  }
0x14: {  	s1 =	sshll.u32 s1, $0x4;
	s13 =	sadd.s32 s11, s5;
	[dreg:$0x14] =	wrdreg s6  }
0x15: {  	s18 =	sadd.s32 s12, s14;
	s12 =	sadd.s32 s12, s15;
	[dreg:$0x18] =	wrdreg s13  }
0x16: {  	s19 =	sadd.s32 $0xC5600, s0;
	s17 =	sadd.s32 s11, s24;
	[dreg:$0xb] =	wrdreg s29  }
0x17: {  	s16 =	sshrl.u32 s18, $0x3;
	s6 =	sadd.s32 s14, s3;
	[dreg:$0x19] =	wrdreg s17  }
0x18: {  	s12 =	sshrl.u32 s12, $0x3;
	s13 =	sadd.s32 s15, s3;
	[dreg:$0x1b] =	wrdreg s6  }
0x19: {  	s18 =	sadd.s32 $0x4AF200, s0;
	s16 =	sadd.s32 s2, s16;
	[smem:$0x7EC] =	sst s13  }
0x1a: {  	s31 =	sadd.s32 s2, s12;
	s2 =	sshrl.u32 s20, $0x3;
	[dreg:$0xc] =	wrdreg s16  }
0x1b: {  	s12 =	sshrl.u32 s21, $0x3;
	s2 =	sadd.s32 s10, s2;
	[dreg:$0xd] =	wrdreg s31  }
0x1c: {  	s20 =	sadd.s32 $0x1600, s0;
	s10 =	sadd.s32 s10, s12;
	[dreg:$0xf] =	wrdreg s2  }
0x1d: {  	s21 =	sadd.s32 $0x496A00, s0;
	s17 =	sadd.s32 s15, s5;
	[dreg:$0x10] =	wrdreg s10  }
0x1e: {  	s0 =	sor.u32 s26, s1;
	s13 =	sadd.s32 $0x927C, s29;
	[smem:$0x7EE] =	sst s17  }
0x1f: {  	s12 =	sshll.u32 s26, $0x6;
	s26 =	sadd.s32 $0x927C, s31;
	[smem:$0x7F7] =	sst s13  }
0x20: {  	s2 =	sadd.s32 s8, s5;
	[smem:$0x7FD] =	sst s26  }
0x21: {  	s8 =	sadd.s32 s8, s23;
	[dreg:$0x13] =	wrdreg s2  }
0x22: {  	s10 =	sadd.s32 s11, s3;
	[dreg:$0x15] =	wrdreg s8  }
0x23: {  	s22 =	sor.u32 $0x1C03, s12;
	s12 =	sadd.s32 s11, s4;
	[dreg:$0x16] =	wrdreg s10  }
0x24: {  	s3 =	sadd.s32 s15, s23;
	[dreg:$0x17] =	wrdreg s12  }
0x25: {  	s17 =	sadd.s32 $0x927C, s16;
	[smem:$0x7F0] =	sst s3  }
0x26: {  	s2 =	sadd.s32 s11, s23;
	[smem:$0x7FA] =	sst s17  }
0x27: {  	s8 =	sadd.s32 s14, s4;
	[dreg:$0x1a] =	wrdreg s2  }
0x28: {  	s10 =	sadd.s32 s14, s5;
	[dreg:$0x1c] =	wrdreg s8  }
0x29: {  	s11 =	sadd.s32 s14, s24;
	[dreg:$0x1d] =	wrdreg s10  }
0x2a: {  	s12 =	sadd.s32 s14, s23;
	[dreg:$0x1e] =	wrdreg s11  }
0x2b: {  	s14 =	sadd.s32 s15, s4;
	[dreg:$0x1f] =	wrdreg s12  }
0x2c: {  	s4 =	smax.u32 s7, $0x1;
	[smem:$0x7ED] =	sst s14  }
0x2d: {  	s6 =	smov.u32 s24;
	s7 =	sadd.s32 $0x30D4, s28;
	[smem:$0x7F1] =	sst s4  }
0x2e: {  	s5 =	smov.u32 s23;
	s23 =	sadd.s32 $0x30D4, s31;
	[smem:$0x7F2] =	sst s7  }
0x2f: {  	s30 =	smul.u32 $0x31000, s0;
	s2 =	sadd.s32 s15, s24;
	[smem:$0x7FB] =	sst s23  }
0x30: {  	s0 =	simm.s32 $0x1000;
	s8 =	sadd.s32 $0x61A8, s28;
	[smem:$0x7EF] =	sst s2  }
0x31: {  	s13 =	simm.s32 $0x8A30;
	s10 =	sadd.s32 $0x927C, s28;
	[smem:$0x7F3] =	sst s8  }
0x32: {  	s17 =	simm.s32 $0x16A30;
	s11 =	sadd.s32 $0x30D4, s29;
	[smem:$0x7F4] =	sst s10  }
0x33: {  	s12 =	sadd.s32 $0x61A8, s29;
	s14 =	sadd.s32 $0x30D4, s16;
	[smem:$0x7F5] =	sst s11  }
0x34: {  	s15 =	sadd.s32 $0x61A8, s16;
	s24 =	sadd.s32 $0x61A8, s31;
	[smem:$0x7F6] =	sst s12  }
0x35: {  	s28 =	simm.s32 $0x3;
	s29 =	simm.s32 $0x7A30;
	[smem:$0x7F8] =	sst s14  }
0x36: {  	s31 =	simm.s32 $0xAA30;
	s16 =	simm.s32 $0x15A30;
	[smem:$0x7F9] =	sst s15  }
0x37: {  	v0 =	vlaneseq.u32;
	[smem:$0x7FC] =	sst s24;
	s14 =	simm.s32 $0x2;
	s8 =	simm.s32 $0xBA30  }
0x38: {  	v0 =	vmul.u32 $0x8, v0;
	s11 =	simm.s32 $0x1;
	s10 =	simm.s32 $0x13A30;
	s15 =	simm.s32 $0x14A30  }
.LBB2_1:
0x39: {  	[dreg:$0x8] =	wrdreg s25  }
0x3a: {  	s1 =	rddreg [dreg:$0x11]  }
0x3b: {  	s2 =	rddreg [dreg:$0x1];
	s1 =	sshrl.u32 s1, $0x3  }
0x3c: {  	[smem:$0x7D8] =	sst s1  }
0x3d: {  	[spmem:s1], [sflag:s22] =	dma.local [hbm:s2], $0xFA  }
0x3e: {  	_ =	swait.ge [sflag:s28], $0xFA  }
0x3f: {  	s7 =	rddreg [dreg:$0x12]  }
0x40: {  	[sflag:s28] =	ssyncset.done $0x0;
	s1 =	sshrl.u32 s7, $0x3  }
0x41: {  	[sflag:s28] =	ssyncadd.s32 $0xFFFFFF06;
	[smem:$0x7D9] =	sst s1  }
0x42: {  	[spmem:s1], [sflag:s22] =	dma.local [hbm:s2], $0xFA  }
0x43: {  	_ =	swait.ge [sflag:s28], $0xFA  }
0x44: {  	s12 =	rddreg [dreg:$0x13]  }
0x45: {  	[sflag:s28] =	ssyncset.done $0x0;
	s1 =	sshrl.u32 s12, $0x3  }
0x46: {  	[sflag:s28] =	ssyncadd.s32 $0xFFFFFF06;
	[smem:$0x7DA] =	sst s1  }
0x47: {  	[spmem:s1], [sflag:s22] =	dma.local [hbm:s2], $0xFA  }
0x48: {  	_ =	swait.ge [sflag:s28], $0xFA  }
0x49: {  	s23 =	rddreg [dreg:$0x14]  }
0x4a: {  	[sflag:s28] =	ssyncset.done $0x0;
	s1 =	sshrl.u32 s23, $0x3  }
0x4b: {  	[sflag:s28] =	ssyncadd.s32 $0xFFFFFF06;
	[smem:$0x7DB] =	sst s1  }
0x4c: {  	[spmem:s1], [sflag:s22] =	dma.local [hbm:s2], $0xFA  }
0x4d: {  	_ =	swait.ge [sflag:s28], $0xFA  }
0x4e: {  	s24 =	rddreg [dreg:$0x15]  }
0x4f: {  	[sflag:s28] =	ssyncset.done $0x0;
	s1 =	sshrl.u32 s24, $0x3  }
0x50: {  	[sflag:s28] =	ssyncadd.s32 $0xFFFFFF06;
	[smem:$0x7DC] =	sst s1  }
0x51: {  	[spmem:s1], [sflag:s22] =	dma.local [hbm:s2], $0xFA  }
0x52: {  	_ =	swait.ge [sflag:s28], $0xFA  }
0x53: {  	s25 =	rddreg [dreg:$0x16]  }
0x54: {  	[sflag:s28] =	ssyncset.done $0x0;
	s1 =	sshrl.u32 s25, $0x3  }
0x55: {  	[sflag:s28] =	ssyncadd.s32 $0xFFFFFF06;
	[smem:$0x7DD] =	sst s1  }
0x56: {  	[spmem:s1], [sflag:s22] =	dma.local [hbm:s2], $0xFA  }
0x57: {  	_ =	swait.ge [sflag:s28], $0xFA  }
0x58: {  	s26 =	rddreg [dreg:$0x17]  }
0x59: {  	[sflag:s28] =	ssyncset.done $0x0;
	s1 =	sshrl.u32 s26, $0x3  }
0x5a: {  	[sflag:s28] =	ssyncadd.s32 $0xFFFFFF06;
	[smem:$0x7DE] =	sst s1  }
0x5b: {  	[spmem:s1], [sflag:s22] =	dma.local [hbm:s2], $0xFA  }
0x5c: {  	_ =	swait.ge [sflag:s28], $0xFA  }
0x5d: {  	s3 =	rddreg [dreg:$0x18]  }
0x5e: {  	[sflag:s28] =	ssyncset.done $0x0;
	s1 =	sshrl.u32 s3, $0x3  }
0x5f: {  	[sflag:s28] =	ssyncadd.s32 $0xFFFFFF06;
	[smem:$0x7DF] =	sst s1  }
0x60: {  	[spmem:s1], [sflag:s22] =	dma.local [hbm:s2], $0xFA  }
0x61: {  	_ =	swait.ge [sflag:s28], $0xFA  }
0x62: {  	s4 =	rddreg [dreg:$0x19]  }
0x63: {  	[sflag:s28] =	ssyncset.done $0x0;
	s1 =	sshrl.u32 s4, $0x3  }
0x64: {  	[sflag:s28] =	ssyncadd.s32 $0xFFFFFF06;
	[smem:$0x7E0] =	sst s1  }
0x65: {  	[spmem:s1], [sflag:s22] =	dma.local [hbm:s2], $0xFA  }
0x66: {  	_ =	swait.ge [sflag:s28], $0xFA  }
0x67: {  	s7 =	rddreg [dreg:$0x1a]  }
0x68: {  	[sflag:s28] =	ssyncset.done $0x0;
	s1 =	sshrl.u32 s7, $0x3  }
0x69: {  	[sflag:s28] =	ssyncadd.s32 $0xFFFFFF06;
	[smem:$0x7E1] =	sst s1  }
0x6a: {  	[spmem:s1], [sflag:s22] =	dma.local [hbm:s2], $0xFA  }
0x6b: {  	_ =	swait.ge [sflag:s28], $0xFA  }
0x6c: {  	s12 =	rddreg [dreg:$0x1b]  }
0x6d: {  	[sflag:s28] =	ssyncset.done $0x0;
	s1 =	sshrl.u32 s12, $0x3  }
0x6e: {  	[sflag:s28] =	ssyncadd.s32 $0xFFFFFF06;
	[smem:$0x7E2] =	sst s1  }
0x6f: {  	[spmem:s1], [sflag:s22] =	dma.local [hbm:s2], $0xFA  }
0x70: {  	_ =	swait.ge [sflag:s28], $0xFA  }
0x71: {  	s23 =	rddreg [dreg:$0x1c]  }
0x72: {  	[sflag:s28] =	ssyncset.done $0x0;
	s1 =	sshrl.u32 s23, $0x3  }
0x73: {  	[sflag:s28] =	ssyncadd.s32 $0xFFFFFF06;
	[smem:$0x7E3] =	sst s1  }
0x74: {  	[spmem:s1], [sflag:s22] =	dma.local [hbm:s2], $0xFA  }
0x75: {  	_ =	swait.ge [sflag:s28], $0xFA  }
0x76: {  	s24 =	rddreg [dreg:$0x1d]  }
0x77: {  	[sflag:s28] =	ssyncset.done $0x0;
	s1 =	sshrl.u32 s24, $0x3  }
0x78: {  	[sflag:s28] =	ssyncadd.s32 $0xFFFFFF06;
	[smem:$0x7E4] =	sst s1  }
0x79: {  	[spmem:s1], [sflag:s22] =	dma.local [hbm:s2], $0xFA  }
0x7a: {  	_ =	swait.ge [sflag:s28], $0xFA  }
0x7b: {  	s25 =	rddreg [dreg:$0x1e]  }
0x7c: {  	[sflag:s28] =	ssyncset.done $0x0;
	s1 =	sshrl.u32 s25, $0x3  }
0x7d: {  	[sflag:s28] =	ssyncadd.s32 $0xFFFFFF06;
	[smem:$0x7E5] =	sst s1  }
0x7e: {  	[spmem:s1], [sflag:s22] =	dma.local [hbm:s2], $0xFA  }
0x7f: {  	_ =	swait.ge [sflag:s28], $0xFA  }
0x80: {  	s26 =	rddreg [dreg:$0x1f]  }
0x81: {  	[sflag:s28] =	ssyncset.done $0x0;
	s1 =	sshrl.u32 s26, $0x3  }
0x82: {  	[sflag:s28] =	ssyncadd.s32 $0xFFFFFF06;
	[smem:$0x7E6] =	sst s1  }
0x83: {  	[spmem:s1], [sflag:s22] =	dma.local [hbm:s2], $0xFA  }
0x84: {  	_ =	swait.ge [sflag:s28], $0xFA  }
0x85: {  	s1 =	sld [smem:$0x7EC];
	_ =	sdelay $0x2  }
0x86: {  	[sflag:s28] =	ssyncset.done $0x0;
	s1 =	sshrl.u32 @!p0 s1, $0x3  }
0x87: {  	[sflag:s28] =	ssyncadd.s32 $0xFFFFFF06;
	[smem:$0x7E7] =	sst s1  }
0x88: {  	[spmem:s1], [sflag:s22] =	dma.local @!p0 [hbm:s2], $0xFA  }
0x89: {  	s1 =	simm.s32 @!p0 $0x3  }
0x8a: {  	_ =	swait.ge @!p0 [sflag:s1], $0xFA  }
0x8b: {  	s3 =	sld [smem:$0x7ED];
	_ =	sdelay $0x2  }
0x8c: {  	[sflag:s1] =	ssyncset.done @!p0 $0x0;
	s3 =	sshrl.u32 @!p0 s3, $0x3  }
0x8d: {  	[sflag:s1] =	ssyncadd.s32 @!p0 $0xFFFFFF06;
	[smem:$0x7E8] =	sst s3  }
0x8e: {  	[spmem:s3], [sflag:s22] =	dma.local @!p0 [hbm:s2], $0xFA  }
0x8f: {  	_ =	swait.ge @!p0 [sflag:s1], $0xFA  }
0x90: {  	s3 =	sld [smem:$0x7EE];
	_ =	sdelay $0x2  }
0x91: {  	[sflag:s1] =	ssyncset.done @!p0 $0x0;
	s3 =	sshrl.u32 @!p0 s3, $0x3  }
0x92: {  	[sflag:s1] =	ssyncadd.s32 @!p0 $0xFFFFFF06;
	[smem:$0x7E9] =	sst s3  }
0x93: {  	[spmem:s3], [sflag:s22] =	dma.local @!p0 [hbm:s2], $0xFA  }
0x94: {  	_ =	swait.ge @!p0 [sflag:s1], $0xFA  }
0x95: {  	s3 =	sld [smem:$0x7EF];
	_ =	sdelay $0x2  }
0x96: {  	[sflag:s1] =	ssyncset.done @!p0 $0x0;
	s3 =	sshrl.u32 @!p0 s3, $0x3  }
0x97: {  	[sflag:s1] =	ssyncadd.s32 @!p0 $0xFFFFFF06;
	[smem:$0x7EA] =	sst s3  }
0x98: {  	[spmem:s3], [sflag:s22] =	dma.local @!p0 [hbm:s2], $0xFA  }
0x99: {  	_ =	swait.ge @!p0 [sflag:s1], $0xFA  }
0x9a: {  	s3 =	sld [smem:$0x7F0];
	_ =	sdelay $0x2  }
0x9b: {  	[sflag:s1] =	ssyncset.done @!p0 $0x0;
	s3 =	sshrl.u32 @!p0 s3, $0x3  }
0x9c: {  	[sflag:s1] =	ssyncadd.s32 @!p0 $0xFFFFFF06;
	[smem:$0x7EB] =	sst s3  }
0x9d: {  	[spmem:s3], [sflag:s22] =	dma.local @!p0 [hbm:s2], $0xFA  }
0x9e: {  	_ =	swait.ge @!p0 [sflag:s1], $0xFA  }
0x9f: {  	[sflag:s1] =	ssyncset.done @!p0 $0x0  }
0xa0: {  	[sflag:s1] =	ssyncadd.s32 @!p0 $0xFFFFFF06  }
0xa1: {  	s23 =	simm.s32 $0x0;
	[bflag:$0x0] =	sbarrier.arrive $0xFFFF  }
.LBB2_2:
0xa2: {  	s1 =	sshll.u32 s23, $0xC  }
0xa3: {  	s1 =	sadd.s32 s30, s1  }
0xa4: {  	s1 =	sshrl.u32 s1, $0x3  }
0xa5: {  	s7 =	simm.s32 $0x0;
	s2 =	sadd.s32 s9, s1  }
0xa6: {  	[tilespmem:s29], [sflag:$0x2] =	stream.linear.gather [hbm4b:s2+s7], $0x1000, $0x38;
	[tilespmem:$0x17A30] =	vst v63  }
0xa7: {  	s3 =	sadd.s32 s18, s1  }
0xa8: {  	[tilespmem:s13], [sflag:$0x2] =	stream.linear.gather [hbm4b:s3+s7], $0x1000, $0x38;
	[tilespmem:$0x17A30] =	vst v63  }
0xa9: {  	s12 =	simm.s32 $0x9A30;
	s4 =	sadd.s32 s19, s1  }
0xaa: {  	[tilespmem:s12], [sflag:$0x2] =	stream.linear.gather [hbm4b:s4+s7], $0x1000, $0x38;
	[tilespmem:$0x17A30] =	vst v63  }
0xab: {  	s1 =	sadd.s32 s20, s1  }
0xac: {  	[tilespmem:s31], [sflag:$0x2] =	stream.linear.gather [hbm4b:s1+s7], $0x1000, $0x38;
	[tilespmem:$0x17A30] =	vst v63  }
0xad: {  	_ =	swait.ge [sflag:s14], $0x1000  }
0xae: {  	[sflag:s14] =	ssyncset.done $0x0  }
0xaf: {  	[sflag:s14] =	ssyncadd.s32 $0xFFFFF000  }
0xb0: {  	_ =	swait.ge [sflag:s14], $0x1000  }
0xb1: {  	[sflag:s14] =	ssyncset.done $0x0  }
0xb2: {  	[sflag:s14] =	ssyncadd.s32 $0xFFFFF000  }
0xb3: {  	_ =	swait.ge [sflag:s14], $0x1000  }
0xb4: {  	[sflag:s14] =	ssyncset.done $0x0  }
0xb5: {  	[sflag:s14] =	ssyncadd.s32 $0xFFFFF000  }
0xb6: {  	v1 =	vmov s7;
	_ =	swait.ge [sflag:s14], $0x1000  }
0xb7: {  	v1 =	vshll.u32 v1, $0x3;
	[sflag:s14] =	ssyncset.done $0x0  }
0xb8: {  	v1 =	vor.u32 v0, v1;
	[sflag:s14] =	ssyncadd.s32 $0xFFFFF000  }
0xb9: {  	[tilespmem:s8], [sflag:$0x1] =	stream.indirect.gather [hbm4b:s21+s0], $0x4, s29, s0, $0xb8;
	[tilespmem:$0x17A30] =	vst v63  }
0xba: {  	_ =	swait.ge [sflag:s11], $0x4000  }
0xbb: {  	[sflag:s11] =	ssyncset.done $0x0  }
0xbc: {  	[sflag:s11] =	ssyncadd.s32 $0xFFFFC000  }
0xbd: {  	v2 =	vld.idx.msk [tilespmem:v1+s8+$0x0], $0xffff  }
0xbe: {  	v3 =	vld [tilespmem:s12+$0x0];
	_ =	sdelay $0x2  }
0xbf: {  	v4 =	vor.u32 $0x1, v1;
	_ =	sdelay $0x1  }
0xc0: {  	v2 =	vmul.f32 v2, v3  }
0xc1: {  	s24 =	simm.s32 $0x13A30  }
0xc2: {  	[tilespmem:s24+$0x0] =	vst v2  }
0xc3: {  	v2 =	vld.idx.msk [tilespmem:v4+s8+$0x0], $0xffff;
	_ =	sdelay $0x2  }
0xc4: {  	v63 =	vor.u32 $0x2, v1;
	_ =	sdelay $0x1  }
0xc5: {  	v2 =	vmul.f32 v2, v3  }
0xc6: {  	s7 =	simm.s32 $0x14A30  }
0xc7: {  	[tilespmem:s7+$0x0] =	vst v2  }
0xc8: {  	v2 =	vld.idx.msk [tilespmem:v63+s8+$0x0], $0xffff;
	_ =	sdelay $0x2  }
0xc9: {  	v1 =	vor.u32 $0x3, v1;
	_ =	sdelay $0x1  }
0xca: {  	v2 =	vmul.f32 v2, v3  }
0xcb: {  	s25 =	simm.s32 $0x15A30  }
0xcc: {  	[tilespmem:s25+$0x0] =	vst v2  }
0xcd: {  	s26 =	simm.s32 $0x10;
	v2 =	vld.idx.msk [tilespmem:v1+s8+$0x0], $0xffff  }
0xce: {  	v1 =	vmov s26  }
0xcf: {  	v1 =	vshll.u32 v1, $0x3  }
0xd0: {  	v1 =	vor.u32 v0, v1  }
0xd1: {  	s2 =	simm.s32 $0x20;
	s1 =	simm.s32 $0x16A30  }
0xd2: {  	s7 =	simm.s32 $0x14A40;
	s25 =	simm.s32 $0x16A40;
	s26 =	simm.s32 $0x15A40;
	v2 =	vmul.f32 v2, v3  }
.LBB2_3:
0xd3: {  	s12 =	sadd.s32 $0x10, s12;
	s24 =	sadd.s32 $0x10, s24  }
0xd4: {  	[tilespmem:s1+$0x0] =	vst v2;
	s3 =	smov.u32 s2;
	s4 =	sadd.s32 $0x10, s2;
	s1 =	smov.u32 s25  }
0xd5: {  	p1 =	sne.s32 s2, $0xFF0;
	v2 =	vld.idx.msk [tilespmem:v1+s8+$0x0], $0xffff  }
0xd6: {  	v3 =	vld [tilespmem:s12+$0x0];
	_ =	sdelay $0x2  }
0xd7: {  	v4 =	vor.u32 $0x1, v1;
	_ =	sdelay $0x1  }
0xd8: {  	v2 =	vmul.f32 v2, v3;
	_ =	sdelay $0x1  }
0xd9: {  	[tilespmem:s24+$0x0] =	vst v2  }
0xda: {  	v2 =	vld.idx.msk [tilespmem:v4+s8+$0x0], $0xffff;
	_ =	sdelay $0x3  }
0xdb: {  	v4 =	vor.u32 $0x2, v1;
	_ =	sdelay $0x1  }
0xdc: {  	v2 =	vmul.f32 v2, v3;
	_ =	sdelay $0x1  }
0xdd: {  	[tilespmem:s7+$0x0] =	vst v2  }
0xde: {  	v2 =	vld.idx.msk [tilespmem:v4+s8+$0x0], $0xffff;
	_ =	sdelay $0x3  }
0xdf: {  	v1 =	vor.u32 $0x3, v1;
	_ =	sdelay $0x1  }
0xe0: {  	v2 =	vmul.f32 v2, v3;
	_ =	sdelay $0x1  }
0xe1: {  	[tilespmem:s26+$0x0] =	vst v2  }
0xe2: {  	v2 =	vld.idx.msk [tilespmem:v1+s8+$0x0], $0xffff;
	_ =	sdelay $0x1  }
0xe3: {  	v1 =	vmov s3  }
.Ltmp0:
0xe4: {  	v1 =	vshll.u32 v1, $0x3;
	(pc) =	sbr.rel @p1 .LBB2_3-.Ltmp0, $3  }
0xe5: {  	v1 =	vor.u32 v0, v1;
	_ =	sdelay $0x1  }
0xe6: {  	s25 =	sadd.s32 $0x10, s25;
	v2 =	vmul.f32 v2, v3  }
0xe7: {  	s2 =	smov.u32 s4;
	s7 =	sadd.s32 $0x10, s7;
	s26 =	sadd.s32 $0x10, s26  }
0xe8: {  	_ =	sdelay $0x2  }
0xe9: {  	[tilespmem:s1+$0x0] =	vst v2  }
0xea: {  	s4 =	sadd.s32 $0x10, s12;
	v2 =	vld.idx.msk [tilespmem:v1+s8+$0x0], $0xffff  }
0xeb: {  	v3 =	vld [tilespmem:s4+$0x0];
	_ =	sdelay $0x2  }
0xec: {  	v4 =	vor.u32 $0x1, v1;
	_ =	sdelay $0x1  }
0xed: {  	v2 =	vmul.f32 v2, v3  }
0xee: {  	s12 =	sadd.s32 $0x10, s24  }
0xef: {  	[tilespmem:s12+$0x0] =	vst v2  }
0xf0: {  	v2 =	vld.idx.msk [tilespmem:v4+s8+$0x0], $0xffff;
	_ =	sdelay $0x2  }
0xf1: {  	v63 =	vor.u32 $0x2, v1;
	_ =	sdelay $0x1  }
0xf2: {  	v2 =	vmul.f32 v2, v3;
	_ =	sdelay $0x1  }
0xf3: {  	[tilespmem:s7+$0x0] =	vst v2  }
0xf4: {  	v2 =	vld.idx.msk [tilespmem:v63+s8+$0x0], $0xffff;
	_ =	sdelay $0x2  }
0xf5: {  	v1 =	vor.u32 $0x3, v1;
	_ =	sdelay $0x1  }
0xf6: {  	v2 =	vmul.f32 v2, v3;
	_ =	sdelay $0x1  }
0xf7: {  	[tilespmem:s26+$0x0] =	vst v2  }
0xf8: {  	v1 =	vld.idx.msk [tilespmem:v1+s8+$0x0], $0xffff;
	_ =	sdelay $0x4  }
0xf9: {  	v1 =	vmul.f32 v1, v3;
	_ =	sdelay $0x1  }
0xfa: {  	s24 =	rddreg [dreg:$0x2];
	[tilespmem:s25+$0x0] =	vst v1  }
0xfb: {  	[spmem:s24] =	stream.indirect.scatter.add.f32 [tilespmem:s10], [sflag:$0x3], $0x1, s13, s0, $0xb8;
	[tilespmem:$0x17A30] =	vst v63  }
0xfc: {  	_ =	swait.ge [sflag:s28], $0x1000  }
0xfd: {  	[sflag:s28] =	ssyncset.done $0x0  }
0xfe: {  	[sflag:s28] =	ssyncadd.s32 $0xFFFFF000  }
0xff: {  	s25 =	rddreg [dreg:$0x3]  }
0x100: {  	[spmem:s25] =	stream.indirect.scatter.add.f32 [tilespmem:s15], [sflag:$0x3], $0x1, s13, s0, $0xb8;
	[tilespmem:$0x17A30] =	vst v63  }
0x101: {  	_ =	swait.ge [sflag:s28], $0x1000  }
0x102: {  	[sflag:s28] =	ssyncset.done $0x0  }
0x103: {  	[sflag:s28] =	ssyncadd.s32 $0xFFFFF000  }
0x104: {  	s26 =	rddreg [dreg:$0x4]  }
0x105: {  	[spmem:s26] =	stream.indirect.scatter.add.f32 [tilespmem:s16], [sflag:$0x3], $0x1, s13, s0, $0xb8;
	[tilespmem:$0x17A30] =	vst v63  }
0x106: {  	_ =	swait.ge [sflag:s28], $0x1000  }
0x107: {  	[sflag:s28] =	ssyncset.done $0x0  }
0x108: {  	[sflag:s28] =	ssyncadd.s32 $0xFFFFF000  }
0x109: {  	[spmem:s6] =	stream.indirect.scatter.add.f32 [tilespmem:s17], [sflag:$0x3], $0x1, s13, s0, $0xb8;
	[tilespmem:$0x17A30] =	vst v63  }
0x10a: {  	s23 =	sadd.s32 $0x1, s23;
	_ =	swait.ge [sflag:s28], $0x1000  }
0x10b: {  	p1 =	sne.s32 s23, $0x31;
	[sflag:s28] =	ssyncset.done $0x0  }
.Ltmp1:
0x10c: {  	[sflag:s28] =	ssyncadd.s32 $0xFFFFF000;
	(pc) =	sbr.rel @p1 .LBB2_2-.Ltmp1, $4  }
0x10d: {  	[spmem:s5] =	stream.indirect.scatter.add.f32 [tilespmem:s31], [sflag:$0x3], $0x1, s13, s0, $0xb8;
	[tilespmem:$0x17A30] =	vst v63  }
0x10e: {  	_ =	swait.ge [sflag:s28], $0x1000  }
0x10f: {  	[sflag:s28] =	ssyncset.done $0x0  }
0x110: {  	[sflag:s28] =	ssyncadd.s32 $0xFFFFF000  }
0x111: {  	[bflag:$0x0] =	sbarrier.arrive $0xFFFF  }
0x112: {  	s2 =	sld [smem:$0x7D8];
	_ =	sdelay $0x1  }
0x113: {  	s1 =	rddreg [dreg:$0x9]  }
0x114: {  	[hbm:s1], [sflag:s22] =	dma.local [spmem:s2], $0xFA  }
0x115: {  	_ =	swait.ge [sflag:s28], $0xFA  }
0x116: {  	s23 =	sld [smem:$0x7F2]  }
0x117: {  	s24 =	sld [smem:$0x7D9]  }
0x118: {  	[sflag:s28] =	ssyncset.done $0x0  }
0x119: {  	[sflag:s28] =	ssyncadd.s32 $0xFFFFFF06  }
0x11a: {  	[hbm:s23], [sflag:s22] =	dma.local [spmem:s24], $0xFA  }
0x11b: {  	_ =	swait.ge [sflag:s28], $0xFA  }
0x11c: {  	s25 =	sld [smem:$0x7F3]  }
0x11d: {  	s26 =	sld [smem:$0x7DA]  }
0x11e: {  	[sflag:s28] =	ssyncset.done $0x0  }
0x11f: {  	[sflag:s28] =	ssyncadd.s32 $0xFFFFFF06  }
0x120: {  	[hbm:s25], [sflag:s22] =	dma.local [spmem:s26], $0xFA  }
0x121: {  	_ =	swait.ge [sflag:s28], $0xFA  }
0x122: {  	s3 =	sld [smem:$0x7F4]  }
0x123: {  	s4 =	sld [smem:$0x7DB]  }
0x124: {  	[sflag:s28] =	ssyncset.done $0x0  }
0x125: {  	[sflag:s28] =	ssyncadd.s32 $0xFFFFFF06  }
0x126: {  	[hbm:s3], [sflag:s22] =	dma.local [spmem:s4], $0xFA  }
0x127: {  	_ =	swait.ge [sflag:s28], $0xFA  }
0x128: {  	s12 =	sld [smem:$0x7DC]  }
0x129: {  	[sflag:s28] =	ssyncset.done $0x0  }
0x12a: {  	s7 =	rddreg [dreg:$0xa];
	[sflag:s28] =	ssyncadd.s32 $0xFFFFFF06  }
0x12b: {  	[hbm:s7], [sflag:s22] =	dma.local [spmem:s12], $0xFA  }
0x12c: {  	_ =	swait.ge [sflag:s28], $0xFA  }
0x12d: {  	s24 =	sld [smem:$0x7DD]  }
0x12e: {  	[sflag:s28] =	ssyncset.done $0x0  }
0x12f: {  	s23 =	rddreg [dreg:$0xb];
	[sflag:s28] =	ssyncadd.s32 $0xFFFFFF06  }
0x130: {  	[hbm:s23], [sflag:s22] =	dma.local [spmem:s24], $0xFA  }
0x131: {  	_ =	swait.ge [sflag:s28], $0xFA  }
0x132: {  	s25 =	sld [smem:$0x7F5]  }
0x133: {  	s26 =	sld [smem:$0x7DE]  }
0x134: {  	[sflag:s28] =	ssyncset.done $0x0  }
0x135: {  	[sflag:s28] =	ssyncadd.s32 $0xFFFFFF06  }
0x136: {  	[hbm:s25], [sflag:s22] =	dma.local [spmem:s26], $0xFA  }
0x137: {  	_ =	swait.ge [sflag:s28], $0xFA  }
0x138: {  	s3 =	sld [smem:$0x7F6]  }
0x139: {  	s4 =	sld [smem:$0x7DF]  }
0x13a: {  	[sflag:s28] =	ssyncset.done $0x0  }
0x13b: {  	[sflag:s28] =	ssyncadd.s32 $0xFFFFFF06  }
0x13c: {  	[hbm:s3], [sflag:s22] =	dma.local [spmem:s4], $0xFA  }
0x13d: {  	_ =	swait.ge [sflag:s28], $0xFA  }
0x13e: {  	s7 =	sld [smem:$0x7F7]  }
0x13f: {  	s12 =	sld [smem:$0x7E0]  }
0x140: {  	[sflag:s28] =	ssyncset.done $0x0  }
0x141: {  	[sflag:s28] =	ssyncadd.s32 $0xFFFFFF06  }
0x142: {  	[hbm:s7], [sflag:s22] =	dma.local [spmem:s12], $0xFA  }
0x143: {  	_ =	swait.ge [sflag:s28], $0xFA  }
0x144: {  	s24 =	sld [smem:$0x7E1]  }
0x145: {  	[sflag:s28] =	ssyncset.done $0x0  }
0x146: {  	s23 =	rddreg [dreg:$0xe];
	[sflag:s28] =	ssyncadd.s32 $0xFFFFFF06  }
0x147: {  	[hbm:s23], [sflag:s22] =	dma.local [spmem:s24], $0xFA  }
0x148: {  	_ =	swait.ge [sflag:s28], $0xFA  }
0x149: {  	s26 =	sld [smem:$0x7E2]  }
0x14a: {  	[sflag:s28] =	ssyncset.done $0x0  }
0x14b: {  	s25 =	rddreg [dreg:$0xc];
	[sflag:s28] =	ssyncadd.s32 $0xFFFFFF06  }
0x14c: {  	[hbm:s25], [sflag:s22] =	dma.local [spmem:s26], $0xFA  }
0x14d: {  	_ =	swait.ge [sflag:s28], $0xFA  }
0x14e: {  	s2 =	sld [smem:$0x7F8]  }
0x14f: {  	s3 =	sld [smem:$0x7E3]  }
0x150: {  	[sflag:s28] =	ssyncset.done $0x0  }
0x151: {  	[sflag:s28] =	ssyncadd.s32 $0xFFFFFF06  }
0x152: {  	[hbm:s2], [sflag:s22] =	dma.local [spmem:s3], $0xFA  }
0x153: {  	_ =	swait.ge [sflag:s28], $0xFA  }
0x154: {  	s4 =	sld [smem:$0x7F9]  }
0x155: {  	s7 =	sld [smem:$0x7E4]  }
0x156: {  	[sflag:s28] =	ssyncset.done $0x0  }
0x157: {  	[sflag:s28] =	ssyncadd.s32 $0xFFFFFF06  }
0x158: {  	[hbm:s4], [sflag:s22] =	dma.local [spmem:s7], $0xFA  }
0x159: {  	_ =	swait.ge [sflag:s28], $0xFA  }
0x15a: {  	s12 =	sld [smem:$0x7FA]  }
0x15b: {  	s23 =	sld [smem:$0x7E5]  }
0x15c: {  	[sflag:s28] =	ssyncset.done $0x0  }
0x15d: {  	[sflag:s28] =	ssyncadd.s32 $0xFFFFFF06  }
0x15e: {  	[hbm:s12], [sflag:s22] =	dma.local [spmem:s23], $0xFA  }
0x15f: {  	_ =	swait.ge [sflag:s28], $0xFA  }
0x160: {  	s25 =	sld [smem:$0x7E6]  }
0x161: {  	[sflag:s28] =	ssyncset.done $0x0  }
0x162: {  	s24 =	rddreg [dreg:$0xf];
	[sflag:s28] =	ssyncadd.s32 $0xFFFFFF06  }
0x163: {  	[hbm:s24], [sflag:s22] =	dma.local [spmem:s25], $0xFA  }
0x164: {  	_ =	swait.ge [sflag:s28], $0xFA  }
0x165: {  	s2 =	sld [smem:$0x7E7]  }
0x166: {  	[sflag:s28] =	ssyncset.done $0x0  }
0x167: {  	s1 =	rddreg [dreg:$0xd];
	[sflag:s28] =	ssyncadd.s32 $0xFFFFFF06  }
0x168: {  	[hbm:s1], [sflag:s22] =	dma.local @!p0 [spmem:s2], $0xFA  }
0x169: {  	s1 =	simm.s32 @!p0 $0x3  }
0x16a: {  	_ =	swait.ge @!p0 [sflag:s1], $0xFA  }
0x16b: {  	s2 =	sld [smem:$0x7FB]  }
0x16c: {  	s3 =	sld [smem:$0x7E8]  }
0x16d: {  	[sflag:s1] =	ssyncset.done @!p0 $0x0  }
0x16e: {  	[sflag:s1] =	ssyncadd.s32 @!p0 $0xFFFFFF06  }
0x16f: {  	[hbm:s2], [sflag:s22] =	dma.local @!p0 [spmem:s3], $0xFA  }
0x170: {  	_ =	swait.ge @!p0 [sflag:s1], $0xFA  }
0x171: {  	s2 =	sld [smem:$0x7FC]  }
0x172: {  	s3 =	sld [smem:$0x7E9]  }
0x173: {  	[sflag:s1] =	ssyncset.done @!p0 $0x0  }
0x174: {  	[sflag:s1] =	ssyncadd.s32 @!p0 $0xFFFFFF06  }
0x175: {  	[hbm:s2], [sflag:s22] =	dma.local @!p0 [spmem:s3], $0xFA  }
0x176: {  	_ =	swait.ge @!p0 [sflag:s1], $0xFA  }
0x177: {  	s2 =	sld [smem:$0x7FD]  }
0x178: {  	s3 =	sld [smem:$0x7EA]  }
0x179: {  	[sflag:s1] =	ssyncset.done @!p0 $0x0  }
0x17a: {  	[sflag:s1] =	ssyncadd.s32 @!p0 $0xFFFFFF06  }
0x17b: {  	[hbm:s2], [sflag:s22] =	dma.local @!p0 [spmem:s3], $0xFA  }
0x17c: {  	_ =	swait.ge @!p0 [sflag:s1], $0xFA  }
0x17d: {  	s3 =	sld [smem:$0x7EB]  }
0x17e: {  	[sflag:s1] =	ssyncset.done @!p0 $0x0  }
0x17f: {  	s2 =	rddreg [dreg:$0x10];
	[sflag:s1] =	ssyncadd.s32 @!p0 $0xFFFFFF06  }
0x180: {  	[hbm:s2], [sflag:s22] =	dma.local @!p0 [spmem:s3], $0xFA  }
0x181: {  	_ =	swait.ge @!p0 [sflag:s1], $0xFA  }
0x182: {  	s26 =	sld [smem:$0x7F1]  }
0x183: {  	s25 =	rddreg [dreg:$0x8]  }
0x184: {  	s25 =	sadd.s32 $0x1, s25  }
0x185: {  	p1 =	sne.s32 s25, s26  }
.Ltmp2:
0x186: {  	_ = 	snop;
	(pc) =	sbr.rel @p1 .LBB2_1-.Ltmp2, $3  }
0x187: {  	_ =	sdelay $0x1  }
0x188: {  	[sflag:s1] =	ssyncset.done @!p0 $0x0  }
0x189: {  	[sflag:s1] =	ssyncadd.s32 @!p0 $0xFFFFFF06  }
0x18a: {  	_ =	sfence.sel $0x180000  }
0x18b: {  	[bflag:$0x0] =	sbarrier.arrive $0xFFFF  }
0x18c: {  	_ =	strace $0x90000047  }
0x18d: {  	s0 =	stileid.u32;
	[bflag:$0x2] =	sbarrier.arrive $0xFFFF  }
0x18e: {  	p0 =	sne.s32 s0, $0x0;
	s0 =	rddreg [dreg:$0x7]  }
0x18f: {  	s0 =	sadd.s32 @!p0 $0x100000, s0  }
0x190: {  	[sflag:s0] =	ssyncadd.tile.s32 @!p0 $0x1;
	_ =	shalt  }
.Lfunc_end2:
_tile_overlayer_lowered:
.L_overlay_start_2:
0x191: {  	(tag) =	ssettag $0x2  }
0x192: {  	s0 =	rddreg [dreg:$0x0];
	s2 =	stileid.u32  }
0x193: {  	s1 =	rddreg [dreg:$0x1];
	p0 =	sne.s32 s2, $0x0  }
0x194: {  	s3 =	rddreg [dreg:$0x2];
	[bflag:$0x3] =	sbarrier.arrive $0xFFFF;
	s2 =	simm.s32 @!p0 $0x1C03  }
0x195: {  	[timem:s3], [sflag:s2] =	dma.local @!p0 [hbm:s0], s1  }
0x196: {  	s0 =	simm.s32 @!p0 $0x3  }
0x197: {  	_ =	swait.ge @!p0 [sflag:s0], s1  }
0x198: {  	s1 =	ssub.s32 @!p0 $0x0, s1;
	[sflag:s0] =	ssyncset.done @!p0 $0x0  }
0x199: {  	[sflag:s0] =	ssyncadd.s32 @!p0 s1  }
0x19a: {  	[bflag:$0x3] =	sbarrier.arrive $0xFFFF  }
0x19b: {  	_ =	shalt  }

</sc_bundles>
